<compile_context>
chip_gen: v7x
topology: tpu7x:2x2x1
jax: 0.10.2.dev20260603
libtpu: 0.0.44.dev20260713+nightly
codegen_flags: <defaults>
</compile_context>

<pallas_src>
import jax
import jax.numpy as jnp
from jax import lax
from jax.experimental import pallas as pl
from jax.experimental.pallas import tpu as pltpu
from jax.experimental.pallas import tpu_sc as plsc

_VOCAB = 10002
_BATCH = 1024
_NCORES = 2
_NSUB = 16
_NTILES = _NCORES * _NSUB
_ROWS_PER_TILE = _BATCH // _NTILES
_CHUNK = 8
_NCHUNK = _ROWS_PER_TILE // _CHUNK


def _sc_body(idx_hbm, out_hbm, idx_v, buf, sem):
    wid = lax.axis_index("s") * _NCORES + lax.axis_index("c")
    base = wid * _ROWS_PER_TILE

    pltpu.sync_copy(idx_hbm.at[pl.ds(base, _ROWS_PER_TILE)], idx_v)

    z = jnp.zeros((16,), jnp.float32)

    @pl.loop(0, _VOCAB // 16)
    def _zero(i):
        off = pl.multiple_of(i * 16, 16)
        for r in range(_CHUNK):
            buf[r, pl.ds(off, 16)] = z

    for r in range(_CHUNK):
        buf[r, pl.ds(_VOCAB - 16, 16)] = z

    lanes = lax.iota(jnp.int32, 16)

    for c in range(_NCHUNK):
        idx16 = idx_v[pl.ds((c // 2) * 16, 16)]
        offs = []
        for r in range(_CHUNK):
            col = idx16[(c % 2) * _CHUNK + r]
            off = jnp.minimum((col // 16) * 16, _VOCAB - 16)
            buf[r, pl.ds(off, 16)] = (lanes == col - off).astype(jnp.float32)
            offs.append(off)
        row0 = pl.multiple_of(base + c * _CHUNK, _CHUNK)
        pltpu.async_copy(
            buf, out_hbm.at[pl.ds(row0, _CHUNK), :], sem,
        ).wait()
        for r in range(_CHUNK):
            buf[r, pl.ds(offs[r], 16)] = z


def kernel(inp, table):
    del table
    mesh = plsc.VectorSubcoreMesh(
        core_axis_name="c", subcore_axis_name="s",
        num_cores=_NCORES, num_subcores=_NSUB,
    )
    sc = pl.kernel(
        _sc_body,
        out_type=jax.ShapeDtypeStruct((_BATCH, _VOCAB), jnp.float32),
        mesh=mesh,
        scratch_types=[
            pltpu.VMEM((_ROWS_PER_TILE,), jnp.int32),
            pltpu.VMEM((_CHUNK, _VOCAB), jnp.float32),
            pltpu.SemaphoreType.DMA,
        ],
        compiler_params=pltpu.CompilerParams(needs_layout_passes=False),
    )
    return sc(inp)

# --- scband reference (transcript-rebuilt; emitter-appended) ---
"""Pipeline reference for scband-one-hot-model-5858335392102 (READ-ONLY COPY).

The authoritative reference and input builder live on the scoring server;
editing this copy changes nothing except your own understanding.
"""

import jax, jax.numpy as jnp
import numpy as np

VOCAB = 10002  # 10000 vocab lines + <PAD> + <UNK>
BATCH = 1024


def setup_inputs(seed: int = 0) -> dict:
    key = jax.random.key(seed)
    inp = jax.random.randint(jax.random.fold_in(key, 0), (BATCH,), 0, VOCAB, dtype=jnp.int32)
    # one-hot embedding table: identity matrix of size [VOCAB, VOCAB]
    table = jnp.eye(VOCAB, dtype=jnp.float32)
    return {"inp": inp, "table": table}


def reference(inp, table):
    # faithful to nn.Embedding.from_pretrained(identity)(inp)
    return jnp.take(table, inp, axis=0)

if __name__ == "__main__":
    import jax
    _d = setup_inputs()
    print(jax.jit(kernel)(*tuple(_d.values())))

</pallas_src>

<mosaic_0001>
#map = affine_map<(d0, d1) -> (0)>
#map1 = affine_map<(d0, d1) -> (0, 0)>
module attributes {stable_mosaic.version = 14 : i64} {
  func.func @_sc_body(%arg0: i32, %arg1: i32, %arg2: memref<1024xi32, #tpu.memory_space<hbm>>, %arg3: memref<1024x10002xf32, #tpu.memory_space<hbm>>, %arg4: memref<32xi32, #tpu.memory_space<vmem>>, %arg5: memref<8x10002xf32, #tpu.memory_space<vmem>>, %arg6: memref<!tpu.dma_semaphore, #tpu.memory_space<semaphore_mem>>) attributes {dimension_semantics = [#tpu.dimension_semantics<core_parallel>, #tpu.dimension_semantics<subcore_parallel>], iteration_bounds = array<i64: 2, 16>, scalar_prefetch = 0 : i64, scratch_operands = 3 : i64, tpu.core_type = #tpu.core_type<sc_vector_subcore>, window_params = [{transform_indices = #map}, {transform_indices = #map1}]} {
    %mul3A = arith.constant 2 : i32
    %mul3A_0 = arith.muli %arg1, %mul3A : i32
    %add3A = arith.addi %mul3A_0, %arg0 : i32
    %mul3A_1 = arith.constant 32 : i32
    %mul3A_2 = arith.muli %add3A, %mul3A_1 : i32
    "tpu.region"() ({
      %run_scoped3A = tpu.sem_alloc : memref<!tpu.dma_semaphore, #tpu.memory_space<semaphore_mem>>
      %dma_start3A_1450 = tpu.memref_slice %arg2[%mul3A_2] : memref<1024xi32, #tpu.memory_space<hbm>> -> memref<32xi32, #tpu.memory_space<hbm>>
      %dma_start3A_1451 = tpu.memref_slice %arg2[%mul3A_2] : memref<1024xi32, #tpu.memory_space<hbm>> -> memref<32xi32, #tpu.memory_space<hbm>>
      tpu.enqueue_dma source(%dma_start3A_1451 : memref<32xi32, #tpu.memory_space<hbm>>) target(%arg4 : memref<32xi32, #tpu.memory_space<vmem>>) target_semaphore(%run_scoped3A : memref<!tpu.dma_semaphore, #tpu.memory_space<semaphore_mem>>)
      %dma_wait3A_1452 = tpu.memref_slice %arg2[%mul3A_2] : memref<1024xi32, #tpu.memory_space<hbm>> -> memref<32xi32, #tpu.memory_space<hbm>>
      %dma_wait3A_1453 = tpu.memref_slice %arg2[%mul3A_2] : memref<1024xi32, #tpu.memory_space<hbm>> -> memref<32xi32, #tpu.memory_space<hbm>>
      tpu.wait_dma2 semaphore(%run_scoped3A : memref<!tpu.dma_semaphore, #tpu.memory_space<semaphore_mem>>) src(%dma_wait3A_1453 : memref<32xi32, #tpu.memory_space<hbm>>) dst(%arg4 : memref<32xi32, #tpu.memory_space<vmem>>)
      tpu.yield
    }) : () -> ()
    %broadcast_in_dim3A = arith.constant 0.000000e+00 : f32
    %broadcast_in_dim3A_3 = vector.broadcast %broadcast_in_dim3A : f32 to vector<16xf32>
    %scan3A = arith.constant 0 : i32
    %scan3A_4 = arith.constant 625 : i32
    %scan3A_5 = arith.addi %scan3A, %scan3A_4 : i32
    %scan3A_6 = arith.constant 1 : i32
    scf.for %scan3A_1450 = %scan3A to %scan3A_5 step %scan3A_6  : i32 {
      %mul3A_1451 = arith.constant 1 : i32
      %mul3A_1452 = arith.muli %scan3A_1450, %mul3A_1451 : i32
      %add3A_1453 = arith.constant 0 : i32
      %add3A_1454 = arith.addi %add3A_1453, %mul3A_1452 : i32
      %mul3A_1455 = arith.constant 16 : i32
      %mul3A_1456 = arith.muli %add3A_1454, %mul3A_1455 : i32
      %multiple_of3A_1457 = tpu.assume_multiple %mul3A_1456, 16 : i32
      %swap3A_1458 = arith.constant 0 : i32
      %swap3A_1459 = arith.index_cast %swap3A_1458 : i32 to index
      %swap3A_1460 = arith.index_cast %multiple_of3A_1457 : i32 to index
      %swap3A_1461 = tpu.vector_load %arg5[%swap3A_1459, %swap3A_1460] {strides = array<i32>} : memref<8x10002xf32, #tpu.memory_space<vmem>>, vector<16xf32>,
      tpu.vector_store %arg5[%swap3A_1459, %swap3A_1460], %broadcast_in_dim3A_3 {strides = array<i32>} : memref<8x10002xf32, #tpu.memory_space<vmem>>, vector<16xf32>,
      %swap3A_1462 = arith.constant 1 : i32
      %swap3A_1463 = arith.index_cast %swap3A_1462 : i32 to index
      %swap3A_1464 = arith.index_cast %multiple_of3A_1457 : i32 to index
      %swap3A_1465 = tpu.vector_load %arg5[%swap3A_1463, %swap3A_1464] {strides = array<i32>} : memref<8x10002xf32, #tpu.memory_space<vmem>>, vector<16xf32>,
      tpu.vector_store %arg5[%swap3A_1463, %swap3A_1464], %broadcast_in_dim3A_3 {strides = array<i32>} : memref<8x10002xf32, #tpu.memory_space<vmem>>, vector<16xf32>,
      %swap3A_1466 = arith.constant 2 : i32
      %swap3A_1467 = arith.index_cast %swap3A_1466 : i32 to index
      %swap3A_1468 = arith.index_cast %multiple_of3A_1457 : i32 to index
      %swap3A_1469 = tpu.vector_load %arg5[%swap3A_1467, %swap3A_1468] {strides = array<i32>} : memref<8x10002xf32, #tpu.memory_space<vmem>>, vector<16xf32>,
      tpu.vector_store %arg5[%swap3A_1467, %swap3A_1468], %broadcast_in_dim3A_3 {strides = array<i32>} : memref<8x10002xf32, #tpu.memory_space<vmem>>, vector<16xf32>,
      %swap3A_1470 = arith.constant 3 : i32
      %swap3A_1471 = arith.index_cast %swap3A_1470 : i32 to index
      %swap3A_1472 = arith.index_cast %multiple_of3A_1457 : i32 to index
      %swap3A_1473 = tpu.vector_load %arg5[%swap3A_1471, %swap3A_1472] {strides = array<i32>} : memref<8x10002xf32, #tpu.memory_space<vmem>>, vector<16xf32>,
      tpu.vector_store %arg5[%swap3A_1471, %swap3A_1472], %broadcast_in_dim3A_3 {strides = array<i32>} : memref<8x10002xf32, #tpu.memory_space<vmem>>, vector<16xf32>,
      %swap3A_1474 = arith.constant 4 : i32
      %swap3A_1475 = arith.index_cast %swap3A_1474 : i32 to index
      %swap3A_1476 = arith.index_cast %multiple_of3A_1457 : i32 to index
      %swap3A_1477 = tpu.vector_load %arg5[%swap3A_1475, %swap3A_1476] {strides = array<i32>} : memref<8x10002xf32, #tpu.memory_space<vmem>>, vector<16xf32>,
      tpu.vector_store %arg5[%swap3A_1475, %swap3A_1476], %broadcast_in_dim3A_3 {strides = array<i32>} : memref<8x10002xf32, #tpu.memory_space<vmem>>, vector<16xf32>,
      %swap3A_1478 = arith.constant 5 : i32
      %swap3A_1479 = arith.index_cast %swap3A_1478 : i32 to index
      %swap3A_1480 = arith.index_cast %multiple_of3A_1457 : i32 to index
      %swap3A_1481 = tpu.vector_load %arg5[%swap3A_1479, %swap3A_1480] {strides = array<i32>} : memref<8x10002xf32, #tpu.memory_space<vmem>>, vector<16xf32>,
      tpu.vector_store %arg5[%swap3A_1479, %swap3A_1480], %broadcast_in_dim3A_3 {strides = array<i32>} : memref<8x10002xf32, #tpu.memory_space<vmem>>, vector<16xf32>,
      %swap3A_1482 = arith.constant 6 : i32
      %swap3A_1483 = arith.index_cast %swap3A_1482 : i32 to index
      %swap3A_1484 = arith.index_cast %multiple_of3A_1457 : i32 to index
      %swap3A_1485 = tpu.vector_load %arg5[%swap3A_1483, %swap3A_1484] {strides = array<i32>} : memref<8x10002xf32, #tpu.memory_space<vmem>>, vector<16xf32>,
      tpu.vector_store %arg5[%swap3A_1483, %swap3A_1484], %broadcast_in_dim3A_3 {strides = array<i32>} : memref<8x10002xf32, #tpu.memory_space<vmem>>, vector<16xf32>,
      %swap3A_1486 = arith.constant 7 : i32
      %swap3A_1487 = arith.index_cast %swap3A_1486 : i32 to index
      %swap3A_1488 = arith.index_cast %multiple_of3A_1457 : i32 to index
      %swap3A_1489 = tpu.vector_load %arg5[%swap3A_1487, %swap3A_1488] {strides = array<i32>} : memref<8x10002xf32, #tpu.memory_space<vmem>>, vector<16xf32>,
      tpu.vector_store %arg5[%swap3A_1487, %swap3A_1488], %broadcast_in_dim3A_3 {strides = array<i32>} : memref<8x10002xf32, #tpu.memory_space<vmem>>, vector<16xf32>,
    }
    %scan3A_7 = arith.constant 625 : i32
    %swap3A = arith.constant 0 : i32
    %swap3A_8 = arith.index_cast %swap3A : i32 to index
    %swap3A_9 = arith.constant 9986 : index
    %swap3A_10 = tpu.vector_load %arg5[%swap3A_8, %swap3A_9] {strides = array<i32>} : memref<8x10002xf32, #tpu.memory_space<vmem>>, vector<16xf32>,
    tpu.vector_store %arg5[%swap3A_8, %swap3A_9], %broadcast_in_dim3A_3 {strides = array<i32>} : memref<8x10002xf32, #tpu.memory_space<vmem>>, vector<16xf32>,
    %swap3A_11 = arith.constant 1 : i32
    %swap3A_12 = arith.index_cast %swap3A_11 : i32 to index
    %swap3A_13 = arith.constant 9986 : index
    %swap3A_14 = tpu.vector_load %arg5[%swap3A_12, %swap3A_13] {strides = array<i32>} : memref<8x10002xf32, #tpu.memory_space<vmem>>, vector<16xf32>,
    tpu.vector_store %arg5[%swap3A_12, %swap3A_13], %broadcast_in_dim3A_3 {strides = array<i32>} : memref<8x10002xf32, #tpu.memory_space<vmem>>, vector<16xf32>,
    %swap3A_15 = arith.constant 2 : i32
    %swap3A_16 = arith.index_cast %swap3A_15 : i32 to index
    %swap3A_17 = arith.constant 9986 : index
    %swap3A_18 = tpu.vector_load %arg5[%swap3A_16, %swap3A_17] {strides = array<i32>} : memref<8x10002xf32, #tpu.memory_space<vmem>>, vector<16xf32>,
    tpu.vector_store %arg5[%swap3A_16, %swap3A_17], %broadcast_in_dim3A_3 {strides = array<i32>} : memref<8x10002xf32, #tpu.memory_space<vmem>>, vector<16xf32>,
    %swap3A_19 = arith.constant 3 : i32
    %swap3A_20 = arith.index_cast %swap3A_19 : i32 to index
    %swap3A_21 = arith.constant 9986 : index
    %swap3A_22 = tpu.vector_load %arg5[%swap3A_20, %swap3A_21] {strides = array<i32>} : memref<8x10002xf32, #tpu.memory_space<vmem>>, vector<16xf32>,
    tpu.vector_store %arg5[%swap3A_20, %swap3A_21], %broadcast_in_dim3A_3 {strides = array<i32>} : memref<8x10002xf32, #tpu.memory_space<vmem>>, vector<16xf32>,
    %swap3A_23 = arith.constant 4 : i32
    %swap3A_24 = arith.index_cast %swap3A_23 : i32 to index
    %swap3A_25 = arith.constant 9986 : index
    %swap3A_26 = tpu.vector_load %arg5[%swap3A_24, %swap3A_25] {strides = array<i32>} : memref<8x10002xf32, #tpu.memory_space<vmem>>, vector<16xf32>,
    tpu.vector_store %arg5[%swap3A_24, %swap3A_25], %broadcast_in_dim3A_3 {strides = array<i32>} : memref<8x10002xf32, #tpu.memory_space<vmem>>, vector<16xf32>,
    %swap3A_27 = arith.constant 5 : i32
    %swap3A_28 = arith.index_cast %swap3A_27 : i32 to index
    %swap3A_29 = arith.constant 9986 : index
    %swap3A_30 = tpu.vector_load %arg5[%swap3A_28, %swap3A_29] {strides = array<i32>} : memref<8x10002xf32, #tpu.memory_space<vmem>>, vector<16xf32>,
    tpu.vector_store %arg5[%swap3A_28, %swap3A_29], %broadcast_in_dim3A_3 {strides = array<i32>} : memref<8x10002xf32, #tpu.memory_space<vmem>>, vector<16xf32>,
    %swap3A_31 = arith.constant 6 : i32
    %swap3A_32 = arith.index_cast %swap3A_31 : i32 to index
    %swap3A_33 = arith.constant 9986 : index
    %swap3A_34 = tpu.vector_load %arg5[%swap3A_32, %swap3A_33] {strides = array<i32>} : memref<8x10002xf32, #tpu.memory_space<vmem>>, vector<16xf32>,
    tpu.vector_store %arg5[%swap3A_32, %swap3A_33], %broadcast_in_dim3A_3 {strides = array<i32>} : memref<8x10002xf32, #tpu.memory_space<vmem>>, vector<16xf32>,
    %swap3A_35 = arith.constant 7 : i32
    %swap3A_36 = arith.index_cast %swap3A_35 : i32 to index
    %swap3A_37 = arith.constant 9986 : index
    %swap3A_38 = tpu.vector_load %arg5[%swap3A_36, %swap3A_37] {strides = array<i32>} : memref<8x10002xf32, #tpu.memory_space<vmem>>, vector<16xf32>,
    tpu.vector_store %arg5[%swap3A_36, %swap3A_37], %broadcast_in_dim3A_3 {strides = array<i32>} : memref<8x10002xf32, #tpu.memory_space<vmem>>, vector<16xf32>,
    %iota3A = tpu.iota {dimensions = array<i32: 0>} : vector<16xi32>
    %get3A = arith.constant 0 : index
    %get3A_39 = tpu.vector_load %arg4[%get3A] {strides = array<i32>} : memref<32xi32, #tpu.memory_space<vmem>>, vector<16xi32>,
    %slice3A = vector.extract_strided_slice %get3A_39 {offsets = [0], sizes = [1], strides = [1]} : vector<16xi32> to vector<1xi32>
    %squeeze3A = vector.extract %slice3A[0] : i32 from vector<1xi32>
    %jit3A = arith.constant 16 : i32
    %div3A = arith.divsi %squeeze3A, %jit3A : i32
    %sign3A = arith.constant 0 : i32
    %sign3A_40 = arith.cmpi sgt, %squeeze3A, %sign3A : i32
    %sign3A_41 = arith.extui %sign3A_40 : i1 to i32
    %sign3A_42 = arith.constant 0 : i32
    %sign3A_43 = arith.cmpi slt, %squeeze3A, %sign3A_42 : i32
    %sign3A_44 = arith.extui %sign3A_43 : i1 to i32
    %sign3A_45 = arith.subi %sign3A_41, %sign3A_44 : i32
    %sign3A_46 = arith.constant 0 : i32
    %sign3A_47 = arith.cmpi sgt, %jit3A, %sign3A_46 : i32
    %sign3A_48 = arith.extui %sign3A_47 : i1 to i32
    %sign3A_49 = arith.constant 0 : i32
    %sign3A_50 = arith.cmpi slt, %jit3A, %sign3A_49 : i32
    %sign3A_51 = arith.extui %sign3A_50 : i1 to i32
    %sign3A_52 = arith.subi %sign3A_48, %sign3A_51 : i32
    %ne3A = arith.cmpi ne, %sign3A_45, %sign3A_52 : i32
    %rem3A = arith.remsi %squeeze3A, %jit3A : i32
    %ne3A_53 = arith.constant 0 : i32
    %ne3A_54 = arith.cmpi ne, %rem3A, %ne3A_53 : i32
    %and3A = arith.andi %ne3A, %ne3A_54 : i1
    %sub3A = arith.constant 1 : i32
    %sub3A_55 = arith.subi %div3A, %sub3A : i32
    %select_n3A = arith.select %and3A, %sub3A_55, %div3A : i32
    %mul3A_56 = arith.constant 16 : i32
    %mul3A_57 = arith.muli %select_n3A, %mul3A_56 : i32
    %min3A = arith.constant 9986 : i32
    %min3A_58 = arith.minsi %mul3A_57, %min3A : i32
    %sub3A_59 = arith.subi %squeeze3A, %min3A_58 : i32
    %eq3A = vector.broadcast %sub3A_59 : i32 to vector<16xi32>
    %eq3A_60 = arith.cmpi eq, %iota3A, %eq3A : vector<16xi32>
    %convert_element_type3A = arith.extui %eq3A_60 : vector<16xi1> to vector<16xi32>
    %convert_element_type3A_61 = arith.sitofp %convert_element_type3A : vector<16xi32> to vector<16xf32>
    %swap3A_62 = arith.constant 0 : i32
    %swap3A_63 = arith.index_cast %swap3A_62 : i32 to index
    %swap3A_64 = arith.index_cast %min3A_58 : i32 to index
    %swap3A_65 = tpu.vector_load %arg5[%swap3A_63, %swap3A_64] {strides = array<i32>} : memref<8x10002xf32, #tpu.memory_space<vmem>>, vector<16xf32>,
    tpu.vector_store %arg5[%swap3A_63, %swap3A_64], %convert_element_type3A_61 {strides = array<i32>} : memref<8x10002xf32, #tpu.memory_space<vmem>>, vector<16xf32>,
    %slice3A_66 = vector.extract_strided_slice %get3A_39 {offsets = [1], sizes = [1], strides = [1]} : vector<16xi32> to vector<1xi32>
    %squeeze3A_67 = vector.extract %slice3A_66[0] : i32 from vector<1xi32>
    %jit3A_68 = arith.constant 16 : i32
    %div3A_69 = arith.divsi %squeeze3A_67, %jit3A_68 : i32
    %sign3A_70 = arith.constant 0 : i32
    %sign3A_71 = arith.cmpi sgt, %squeeze3A_67, %sign3A_70 : i32
    %sign3A_72 = arith.extui %sign3A_71 : i1 to i32
    %sign3A_73 = arith.constant 0 : i32
    %sign3A_74 = arith.cmpi slt, %squeeze3A_67, %sign3A_73 : i32
    %sign3A_75 = arith.extui %sign3A_74 : i1 to i32
    %sign3A_76 = arith.subi %sign3A_72, %sign3A_75 : i32
    %sign3A_77 = arith.constant 0 : i32
    %sign3A_78 = arith.cmpi sgt, %jit3A_68, %sign3A_77 : i32
    %sign3A_79 = arith.extui %sign3A_78 : i1 to i32
    %sign3A_80 = arith.constant 0 : i32
    %sign3A_81 = arith.cmpi slt, %jit3A_68, %sign3A_80 : i32
    %sign3A_82 = arith.extui %sign3A_81 : i1 to i32
    %sign3A_83 = arith.subi %sign3A_79, %sign3A_82 : i32
    %ne3A_84 = arith.cmpi ne, %sign3A_76, %sign3A_83 : i32
    %rem3A_85 = arith.remsi %squeeze3A_67, %jit3A_68 : i32
    %ne3A_86 = arith.constant 0 : i32
    %ne3A_87 = arith.cmpi ne, %rem3A_85, %ne3A_86 : i32
    %and3A_88 = arith.andi %ne3A_84, %ne3A_87 : i1
    %sub3A_89 = arith.constant 1 : i32
    %sub3A_90 = arith.subi %div3A_69, %sub3A_89 : i32
    %select_n3A_91 = arith.select %and3A_88, %sub3A_90, %div3A_69 : i32
    %mul3A_92 = arith.constant 16 : i32
    %mul3A_93 = arith.muli %select_n3A_91, %mul3A_92 : i32
    %min3A_94 = arith.constant 9986 : i32
    %min3A_95 = arith.minsi %mul3A_93, %min3A_94 : i32
    %sub3A_96 = arith.subi %squeeze3A_67, %min3A_95 : i32
    %eq3A_97 = vector.broadcast %sub3A_96 : i32 to vector<16xi32>
    %eq3A_98 = arith.cmpi eq, %iota3A, %eq3A_97 : vector<16xi32>
    %convert_element_type3A_99 = arith.extui %eq3A_98 : vector<16xi1> to vector<16xi32>
    %convert_element_type3A_100 = arith.sitofp %convert_element_type3A_99 : vector<16xi32> to vector<16xf32>
    %swap3A_101 = arith.constant 1 : i32
    %swap3A_102 = arith.index_cast %swap3A_101 : i32 to index
    %swap3A_103 = arith.index_cast %min3A_95 : i32 to index
    %swap3A_104 = tpu.vector_load %arg5[%swap3A_102, %swap3A_103] {strides = array<i32>} : memref<8x10002xf32, #tpu.memory_space<vmem>>, vector<16xf32>,
    tpu.vector_store %arg5[%swap3A_102, %swap3A_103], %convert_element_type3A_100 {strides = array<i32>} : memref<8x10002xf32, #tpu.memory_space<vmem>>, vector<16xf32>,
    %slice3A_105 = vector.extract_strided_slice %get3A_39 {offsets = [2], sizes = [1], strides = [1]} : vector<16xi32> to vector<1xi32>
    %squeeze3A_106 = vector.extract %slice3A_105[0] : i32 from vector<1xi32>
    %jit3A_107 = arith.constant 16 : i32
    %div3A_108 = arith.divsi %squeeze3A_106, %jit3A_107 : i32
    %sign3A_109 = arith.constant 0 : i32
    %sign3A_110 = arith.cmpi sgt, %squeeze3A_106, %sign3A_109 : i32
    %sign3A_111 = arith.extui %sign3A_110 : i1 to i32
    %sign3A_112 = arith.constant 0 : i32
    %sign3A_113 = arith.cmpi slt, %squeeze3A_106, %sign3A_112 : i32
    %sign3A_114 = arith.extui %sign3A_113 : i1 to i32
    %sign3A_115 = arith.subi %sign3A_111, %sign3A_114 : i32
    %sign3A_116 = arith.constant 0 : i32
    %sign3A_117 = arith.cmpi sgt, %jit3A_107, %sign3A_116 : i32
    %sign3A_118 = arith.extui %sign3A_117 : i1 to i32
    %sign3A_119 = arith.constant 0 : i32
    %sign3A_120 = arith.cmpi slt, %jit3A_107, %sign3A_119 : i32
    %sign3A_121 = arith.extui %sign3A_120 : i1 to i32
    %sign3A_122 = arith.subi %sign3A_118, %sign3A_121 : i32
    %ne3A_123 = arith.cmpi ne, %sign3A_115, %sign3A_122 : i32
    %rem3A_124 = arith.remsi %squeeze3A_106, %jit3A_107 : i32
    %ne3A_125 = arith.constant 0 : i32
    %ne3A_126 = arith.cmpi ne, %rem3A_124, %ne3A_125 : i32
    %and3A_127 = arith.andi %ne3A_123, %ne3A_126 : i1
    %sub3A_128 = arith.constant 1 : i32
    %sub3A_129 = arith.subi %div3A_108, %sub3A_128 : i32
    %select_n3A_130 = arith.select %and3A_127, %sub3A_129, %div3A_108 : i32
    %mul3A_131 = arith.constant 16 : i32
    %mul3A_132 = arith.muli %select_n3A_130, %mul3A_131 : i32
    %min3A_133 = arith.constant 9986 : i32
    %min3A_134 = arith.minsi %mul3A_132, %min3A_133 : i32
    %sub3A_135 = arith.subi %squeeze3A_106, %min3A_134 : i32
    %eq3A_136 = vector.broadcast %sub3A_135 : i32 to vector<16xi32>
    %eq3A_137 = arith.cmpi eq, %iota3A, %eq3A_136 : vector<16xi32>
    %convert_element_type3A_138 = arith.extui %eq3A_137 : vector<16xi1> to vector<16xi32>
    %convert_element_type3A_139 = arith.sitofp %convert_element_type3A_138 : vector<16xi32> to vector<16xf32>
    %swap3A_140 = arith.constant 2 : i32
    %swap3A_141 = arith.index_cast %swap3A_140 : i32 to index
    %swap3A_142 = arith.index_cast %min3A_134 : i32 to index
    %swap3A_143 = tpu.vector_load %arg5[%swap3A_141, %swap3A_142] {strides = array<i32>} : memref<8x10002xf32, #tpu.memory_space<vmem>>, vector<16xf32>,
    tpu.vector_store %arg5[%swap3A_141, %swap3A_142], %convert_element_type3A_139 {strides = array<i32>} : memref<8x10002xf32, #tpu.memory_space<vmem>>, vector<16xf32>,
    %slice3A_144 = vector.extract_strided_slice %get3A_39 {offsets = [3], sizes = [1], strides = [1]} : vector<16xi32> to vector<1xi32>
    %squeeze3A_145 = vector.extract %slice3A_144[0] : i32 from vector<1xi32>
    %jit3A_146 = arith.constant 16 : i32
    %div3A_147 = arith.divsi %squeeze3A_145, %jit3A_146 : i32
    %sign3A_148 = arith.constant 0 : i32
    %sign3A_149 = arith.cmpi sgt, %squeeze3A_145, %sign3A_148 : i32
    %sign3A_150 = arith.extui %sign3A_149 : i1 to i32
    %sign3A_151 = arith.constant 0 : i32
    %sign3A_152 = arith.cmpi slt, %squeeze3A_145, %sign3A_151 : i32
    %sign3A_153 = arith.extui %sign3A_152 : i1 to i32
    %sign3A_154 = arith.subi %sign3A_150, %sign3A_153 : i32
    %sign3A_155 = arith.constant 0 : i32
    %sign3A_156 = arith.cmpi sgt, %jit3A_146, %sign3A_155 : i32
    %sign3A_157 = arith.extui %sign3A_156 : i1 to i32
    %sign3A_158 = arith.constant 0 : i32
    %sign3A_159 = arith.cmpi slt, %jit3A_146, %sign3A_158 : i32
    %sign3A_160 = arith.extui %sign3A_159 : i1 to i32
    %sign3A_161 = arith.subi %sign3A_157, %sign3A_160 : i32
    %ne3A_162 = arith.cmpi ne, %sign3A_154, %sign3A_161 : i32
    %rem3A_163 = arith.remsi %squeeze3A_145, %jit3A_146 : i32
    %ne3A_164 = arith.constant 0 : i32
    %ne3A_165 = arith.cmpi ne, %rem3A_163, %ne3A_164 : i32
    %and3A_166 = arith.andi %ne3A_162, %ne3A_165 : i1
    %sub3A_167 = arith.constant 1 : i32
    %sub3A_168 = arith.subi %div3A_147, %sub3A_167 : i32
    %select_n3A_169 = arith.select %and3A_166, %sub3A_168, %div3A_147 : i32
    %mul3A_170 = arith.constant 16 : i32
    %mul3A_171 = arith.muli %select_n3A_169, %mul3A_170 : i32
    %min3A_172 = arith.constant 9986 : i32
    %min3A_173 = arith.minsi %mul3A_171, %min3A_172 : i32
    %sub3A_174 = arith.subi %squeeze3A_145, %min3A_173 : i32
    %eq3A_175 = vector.broadcast %sub3A_174 : i32 to vector<16xi32>
    %eq3A_176 = arith.cmpi eq, %iota3A, %eq3A_175 : vector<16xi32>
    %convert_element_type3A_177 = arith.extui %eq3A_176 : vector<16xi1> to vector<16xi32>
    %convert_element_type3A_178 = arith.sitofp %convert_element_type3A_177 : vector<16xi32> to vector<16xf32>
    %swap3A_179 = arith.constant 3 : i32
    %swap3A_180 = arith.index_cast %swap3A_179 : i32 to index
    %swap3A_181 = arith.index_cast %min3A_173 : i32 to index
    %swap3A_182 = tpu.vector_load %arg5[%swap3A_180, %swap3A_181] {strides = array<i32>} : memref<8x10002xf32, #tpu.memory_space<vmem>>, vector<16xf32>,
    tpu.vector_store %arg5[%swap3A_180, %swap3A_181], %convert_element_type3A_178 {strides = array<i32>} : memref<8x10002xf32, #tpu.memory_space<vmem>>, vector<16xf32>,
    %slice3A_183 = vector.extract_strided_slice %get3A_39 {offsets = [4], sizes = [1], strides = [1]} : vector<16xi32> to vector<1xi32>
    %squeeze3A_184 = vector.extract %slice3A_183[0] : i32 from vector<1xi32>
    %jit3A_185 = arith.constant 16 : i32
    %div3A_186 = arith.divsi %squeeze3A_184, %jit3A_185 : i32
    %sign3A_187 = arith.constant 0 : i32
    %sign3A_188 = arith.cmpi sgt, %squeeze3A_184, %sign3A_187 : i32
    %sign3A_189 = arith.extui %sign3A_188 : i1 to i32
    %sign3A_190 = arith.constant 0 : i32
    %sign3A_191 = arith.cmpi slt, %squeeze3A_184, %sign3A_190 : i32
    %sign3A_192 = arith.extui %sign3A_191 : i1 to i32
    %sign3A_193 = arith.subi %sign3A_189, %sign3A_192 : i32
    %sign3A_194 = arith.constant 0 : i32
    %sign3A_195 = arith.cmpi sgt, %jit3A_185, %sign3A_194 : i32
    %sign3A_196 = arith.extui %sign3A_195 : i1 to i32
    %sign3A_197 = arith.constant 0 : i32
    %sign3A_198 = arith.cmpi slt, %jit3A_185, %sign3A_197 : i32
    %sign3A_199 = arith.extui %sign3A_198 : i1 to i32
    %sign3A_200 = arith.subi %sign3A_196, %sign3A_199 : i32
    %ne3A_201 = arith.cmpi ne, %sign3A_193, %sign3A_200 : i32
    %rem3A_202 = arith.remsi %squeeze3A_184, %jit3A_185 : i32
    %ne3A_203 = arith.constant 0 : i32
    %ne3A_204 = arith.cmpi ne, %rem3A_202, %ne3A_203 : i32
    %and3A_205 = arith.andi %ne3A_201, %ne3A_204 : i1
    %sub3A_206 = arith.constant 1 : i32
    %sub3A_207 = arith.subi %div3A_186, %sub3A_206 : i32
    %select_n3A_208 = arith.select %and3A_205, %sub3A_207, %div3A_186 : i32
    %mul3A_209 = arith.constant 16 : i32
    %mul3A_210 = arith.muli %select_n3A_208, %mul3A_209 : i32
    %min3A_211 = arith.constant 9986 : i32
    %min3A_212 = arith.minsi %mul3A_210, %min3A_211 : i32
    %sub3A_213 = arith.subi %squeeze3A_184, %min3A_212 : i32
    %eq3A_214 = vector.broadcast %sub3A_213 : i32 to vector<16xi32>
    %eq3A_215 = arith.cmpi eq, %iota3A, %eq3A_214 : vector<16xi32>
    %convert_element_type3A_216 = arith.extui %eq3A_215 : vector<16xi1> to vector<16xi32>
    %convert_element_type3A_217 = arith.sitofp %convert_element_type3A_216 : vector<16xi32> to vector<16xf32>
    %swap3A_218 = arith.constant 4 : i32
    %swap3A_219 = arith.index_cast %swap3A_218 : i32 to index
    %swap3A_220 = arith.index_cast %min3A_212 : i32 to index
    %swap3A_221 = tpu.vector_load %arg5[%swap3A_219, %swap3A_220] {strides = array<i32>} : memref<8x10002xf32, #tpu.memory_space<vmem>>, vector<16xf32>,
    tpu.vector_store %arg5[%swap3A_219, %swap3A_220], %convert_element_type3A_217 {strides = array<i32>} : memref<8x10002xf32, #tpu.memory_space<vmem>>, vector<16xf32>,
    %slice3A_222 = vector.extract_strided_slice %get3A_39 {offsets = [5], sizes = [1], strides = [1]} : vector<16xi32> to vector<1xi32>
    %squeeze3A_223 = vector.extract %slice3A_222[0] : i32 from vector<1xi32>
    %jit3A_224 = arith.constant 16 : i32
    %div3A_225 = arith.divsi %squeeze3A_223, %jit3A_224 : i32
    %sign3A_226 = arith.constant 0 : i32
    %sign3A_227 = arith.cmpi sgt, %squeeze3A_223, %sign3A_226 : i32
    %sign3A_228 = arith.extui %sign3A_227 : i1 to i32
    %sign3A_229 = arith.constant 0 : i32
    %sign3A_230 = arith.cmpi slt, %squeeze3A_223, %sign3A_229 : i32
    %sign3A_231 = arith.extui %sign3A_230 : i1 to i32
    %sign3A_232 = arith.subi %sign3A_228, %sign3A_231 : i32
    %sign3A_233 = arith.constant 0 : i32
    %sign3A_234 = arith.cmpi sgt, %jit3A_224, %sign3A_233 : i32
    %sign3A_235 = arith.extui %sign3A_234 : i1 to i32
    %sign3A_236 = arith.constant 0 : i32
    %sign3A_237 = arith.cmpi slt, %jit3A_224, %sign3A_236 : i32
    %sign3A_238 = arith.extui %sign3A_237 : i1 to i32
    %sign3A_239 = arith.subi %sign3A_235, %sign3A_238 : i32
    %ne3A_240 = arith.cmpi ne, %sign3A_232, %sign3A_239 : i32
    %rem3A_241 = arith.remsi %squeeze3A_223, %jit3A_224 : i32
    %ne3A_242 = arith.constant 0 : i32
    %ne3A_243 = arith.cmpi ne, %rem3A_241, %ne3A_242 : i32
    %and3A_244 = arith.andi %ne3A_240, %ne3A_243 : i1
    %sub3A_245 = arith.constant 1 : i32
    %sub3A_246 = arith.subi %div3A_225, %sub3A_245 : i32
    %select_n3A_247 = arith.select %and3A_244, %sub3A_246, %div3A_225 : i32
    %mul3A_248 = arith.constant 16 : i32
    %mul3A_249 = arith.muli %select_n3A_247, %mul3A_248 : i32
    %min3A_250 = arith.constant 9986 : i32
    %min3A_251 = arith.minsi %mul3A_249, %min3A_250 : i32
    %sub3A_252 = arith.subi %squeeze3A_223, %min3A_251 : i32
    %eq3A_253 = vector.broadcast %sub3A_252 : i32 to vector<16xi32>
    %eq3A_254 = arith.cmpi eq, %iota3A, %eq3A_253 : vector<16xi32>
    %convert_element_type3A_255 = arith.extui %eq3A_254 : vector<16xi1> to vector<16xi32>
    %convert_element_type3A_256 = arith.sitofp %convert_element_type3A_255 : vector<16xi32> to vector<16xf32>
    %swap3A_257 = arith.constant 5 : i32
    %swap3A_258 = arith.index_cast %swap3A_257 : i32 to index
    %swap3A_259 = arith.index_cast %min3A_251 : i32 to index
    %swap3A_260 = tpu.vector_load %arg5[%swap3A_258, %swap3A_259] {strides = array<i32>} : memref<8x10002xf32, #tpu.memory_space<vmem>>, vector<16xf32>,
    tpu.vector_store %arg5[%swap3A_258, %swap3A_259], %convert_element_type3A_256 {strides = array<i32>} : memref<8x10002xf32, #tpu.memory_space<vmem>>, vector<16xf32>,
    %slice3A_261 = vector.extract_strided_slice %get3A_39 {offsets = [6], sizes = [1], strides = [1]} : vector<16xi32> to vector<1xi32>
    %squeeze3A_262 = vector.extract %slice3A_261[0] : i32 from vector<1xi32>
    %jit3A_263 = arith.constant 16 : i32
    %div3A_264 = arith.divsi %squeeze3A_262, %jit3A_263 : i32
    %sign3A_265 = arith.constant 0 : i32
    %sign3A_266 = arith.cmpi sgt, %squeeze3A_262, %sign3A_265 : i32
    %sign3A_267 = arith.extui %sign3A_266 : i1 to i32
    %sign3A_268 = arith.constant 0 : i32
    %sign3A_269 = arith.cmpi slt, %squeeze3A_262, %sign3A_268 : i32
    %sign3A_270 = arith.extui %sign3A_269 : i1 to i32
    %sign3A_271 = arith.subi %sign3A_267, %sign3A_270 : i32
    %sign3A_272 = arith.constant 0 : i32
    %sign3A_273 = arith.cmpi sgt, %jit3A_263, %sign3A_272 : i32
    %sign3A_274 = arith.extui %sign3A_273 : i1 to i32
    %sign3A_275 = arith.constant 0 : i32
    %sign3A_276 = arith.cmpi slt, %jit3A_263, %sign3A_275 : i32
    %sign3A_277 = arith.extui %sign3A_276 : i1 to i32
    %sign3A_278 = arith.subi %sign3A_274, %sign3A_277 : i32
    %ne3A_279 = arith.cmpi ne, %sign3A_271, %sign3A_278 : i32
    %rem3A_280 = arith.remsi %squeeze3A_262, %jit3A_263 : i32
    %ne3A_281 = arith.constant 0 : i32
    %ne3A_282 = arith.cmpi ne, %rem3A_280, %ne3A_281 : i32
    %and3A_283 = arith.andi %ne3A_279, %ne3A_282 : i1
    %sub3A_284 = arith.constant 1 : i32
    %sub3A_285 = arith.subi %div3A_264, %sub3A_284 : i32
    %select_n3A_286 = arith.select %and3A_283, %sub3A_285, %div3A_264 : i32
    %mul3A_287 = arith.constant 16 : i32
    %mul3A_288 = arith.muli %select_n3A_286, %mul3A_287 : i32
    %min3A_289 = arith.constant 9986 : i32
    %min3A_290 = arith.minsi %mul3A_288, %min3A_289 : i32
    %sub3A_291 = arith.subi %squeeze3A_262, %min3A_290 : i32
    %eq3A_292 = vector.broadcast %sub3A_291 : i32 to vector<16xi32>
    %eq3A_293 = arith.cmpi eq, %iota3A, %eq3A_292 : vector<16xi32>
    %convert_element_type3A_294 = arith.extui %eq3A_293 : vector<16xi1> to vector<16xi32>
    %convert_element_type3A_295 = arith.sitofp %convert_element_type3A_294 : vector<16xi32> to vector<16xf32>
    %swap3A_296 = arith.constant 6 : i32
    %swap3A_297 = arith.index_cast %swap3A_296 : i32 to index
    %swap3A_298 = arith.index_cast %min3A_290 : i32 to index
    %swap3A_299 = tpu.vector_load %arg5[%swap3A_297, %swap3A_298] {strides = array<i32>} : memref<8x10002xf32, #tpu.memory_space<vmem>>, vector<16xf32>,
    tpu.vector_store %arg5[%swap3A_297, %swap3A_298], %convert_element_type3A_295 {strides = array<i32>} : memref<8x10002xf32, #tpu.memory_space<vmem>>, vector<16xf32>,
    %slice3A_300 = vector.extract_strided_slice %get3A_39 {offsets = [7], sizes = [1], strides = [1]} : vector<16xi32> to vector<1xi32>
    %squeeze3A_301 = vector.extract %slice3A_300[0] : i32 from vector<1xi32>
    %jit3A_302 = arith.constant 16 : i32
    %div3A_303 = arith.divsi %squeeze3A_301, %jit3A_302 : i32
    %sign3A_304 = arith.constant 0 : i32
    %sign3A_305 = arith.cmpi sgt, %squeeze3A_301, %sign3A_304 : i32
    %sign3A_306 = arith.extui %sign3A_305 : i1 to i32
    %sign3A_307 = arith.constant 0 : i32
    %sign3A_308 = arith.cmpi slt, %squeeze3A_301, %sign3A_307 : i32
    %sign3A_309 = arith.extui %sign3A_308 : i1 to i32
    %sign3A_310 = arith.subi %sign3A_306, %sign3A_309 : i32
    %sign3A_311 = arith.constant 0 : i32
    %sign3A_312 = arith.cmpi sgt, %jit3A_302, %sign3A_311 : i32
    %sign3A_313 = arith.extui %sign3A_312 : i1 to i32
    %sign3A_314 = arith.constant 0 : i32
    %sign3A_315 = arith.cmpi slt, %jit3A_302, %sign3A_314 : i32
    %sign3A_316 = arith.extui %sign3A_315 : i1 to i32
    %sign3A_317 = arith.subi %sign3A_313, %sign3A_316 : i32
    %ne3A_318 = arith.cmpi ne, %sign3A_310, %sign3A_317 : i32
    %rem3A_319 = arith.remsi %squeeze3A_301, %jit3A_302 : i32
    %ne3A_320 = arith.constant 0 : i32
    %ne3A_321 = arith.cmpi ne, %rem3A_319, %ne3A_320 : i32
    %and3A_322 = arith.andi %ne3A_318, %ne3A_321 : i1
    %sub3A_323 = arith.constant 1 : i32
    %sub3A_324 = arith.subi %div3A_303, %sub3A_323 : i32
    %select_n3A_325 = arith.select %and3A_322, %sub3A_324, %div3A_303 : i32
    %mul3A_326 = arith.constant 16 : i32
    %mul3A_327 = arith.muli %select_n3A_325, %mul3A_326 : i32
    %min3A_328 = arith.constant 9986 : i32
    %min3A_329 = arith.minsi %mul3A_327, %min3A_328 : i32
    %sub3A_330 = arith.subi %squeeze3A_301, %min3A_329 : i32
    %eq3A_331 = vector.broadcast %sub3A_330 : i32 to vector<16xi32>
    %eq3A_332 = arith.cmpi eq, %iota3A, %eq3A_331 : vector<16xi32>
    %convert_element_type3A_333 = arith.extui %eq3A_332 : vector<16xi1> to vector<16xi32>
    %convert_element_type3A_334 = arith.sitofp %convert_element_type3A_333 : vector<16xi32> to vector<16xf32>
    %swap3A_335 = arith.constant 7 : i32
    %swap3A_336 = arith.index_cast %swap3A_335 : i32 to index
    %swap3A_337 = arith.index_cast %min3A_329 : i32 to index
    %swap3A_338 = tpu.vector_load %arg5[%swap3A_336, %swap3A_337] {strides = array<i32>} : memref<8x10002xf32, #tpu.memory_space<vmem>>, vector<16xf32>,
    tpu.vector_store %arg5[%swap3A_336, %swap3A_337], %convert_element_type3A_334 {strides = array<i32>} : memref<8x10002xf32, #tpu.memory_space<vmem>>, vector<16xf32>,
    %add3A_339 = arith.constant 0 : i32
    %add3A_340 = arith.addi %mul3A_2, %add3A_339 : i32
    %multiple_of3A = tpu.assume_multiple %add3A_340, 8 : i32
    %dma_start3A = arith.constant 0 : i32
    %dma_start3A_341 = tpu.memref_slice %arg3[%multiple_of3A, %dma_start3A] : memref<1024x10002xf32, #tpu.memory_space<hbm>> -> memref<8x10002xf32, #tpu.memory_space<hbm>>
    %dma_start3A_342 = arith.constant 0 : i32
    %dma_start3A_343 = tpu.memref_slice %arg3[%multiple_of3A, %dma_start3A_342] : memref<1024x10002xf32, #tpu.memory_space<hbm>> -> memref<8x10002xf32, #tpu.memory_space<hbm>>
    tpu.enqueue_dma source(%arg5 : memref<8x10002xf32, #tpu.memory_space<vmem>>) target(%dma_start3A_343 : memref<8x10002xf32, #tpu.memory_space<hbm>>) target_semaphore(%arg6 : memref<!tpu.dma_semaphore, #tpu.memory_space<semaphore_mem>>)
    %dma_wait3A = arith.constant 0 : i32
    %dma_wait3A_344 = tpu.memref_slice %arg3[%multiple_of3A, %dma_wait3A] : memref<1024x10002xf32, #tpu.memory_space<hbm>> -> memref<8x10002xf32, #tpu.memory_space<hbm>>
    %dma_wait3A_345 = arith.constant 0 : i32
    %dma_wait3A_346 = tpu.memref_slice %arg3[%multiple_of3A, %dma_wait3A_345] : memref<1024x10002xf32, #tpu.memory_space<hbm>> -> memref<8x10002xf32, #tpu.memory_space<hbm>>
    tpu.wait_dma2 semaphore(%arg6 : memref<!tpu.dma_semaphore, #tpu.memory_space<semaphore_mem>>) src(%arg5 : memref<8x10002xf32, #tpu.memory_space<vmem>>) dst(%dma_wait3A_346 : memref<8x10002xf32, #tpu.memory_space<hbm>>)
    %swap3A_347 = arith.constant 0 : i32
    %swap3A_348 = arith.index_cast %swap3A_347 : i32 to index
    %swap3A_349 = arith.index_cast %min3A_58 : i32 to index
    %swap3A_350 = tpu.vector_load %arg5[%swap3A_348, %swap3A_349] {strides = array<i32>} : memref<8x10002xf32, #tpu.memory_space<vmem>>, vector<16xf32>,
    tpu.vector_store %arg5[%swap3A_348, %swap3A_349], %broadcast_in_dim3A_3 {strides = array<i32>} : memref<8x10002xf32, #tpu.memory_space<vmem>>, vector<16xf32>,
    %swap3A_351 = arith.constant 1 : i32
    %swap3A_352 = arith.index_cast %swap3A_351 : i32 to index
    %swap3A_353 = arith.index_cast %min3A_95 : i32 to index
    %swap3A_354 = tpu.vector_load %arg5[%swap3A_352, %swap3A_353] {strides = array<i32>} : memref<8x10002xf32, #tpu.memory_space<vmem>>, vector<16xf32>,
    tpu.vector_store %arg5[%swap3A_352, %swap3A_353], %broadcast_in_dim3A_3 {strides = array<i32>} : memref<8x10002xf32, #tpu.memory_space<vmem>>, vector<16xf32>,
    %swap3A_355 = arith.constant 2 : i32
    %swap3A_356 = arith.index_cast %swap3A_355 : i32 to index
    %swap3A_357 = arith.index_cast %min3A_134 : i32 to index
    %swap3A_358 = tpu.vector_load %arg5[%swap3A_356, %swap3A_357] {strides = array<i32>} : memref<8x10002xf32, #tpu.memory_space<vmem>>, vector<16xf32>,
    tpu.vector_store %arg5[%swap3A_356, %swap3A_357], %broadcast_in_dim3A_3 {strides = array<i32>} : memref<8x10002xf32, #tpu.memory_space<vmem>>, vector<16xf32>,
    %swap3A_359 = arith.constant 3 : i32
    %swap3A_360 = arith.index_cast %swap3A_359 : i32 to index
    %swap3A_361 = arith.index_cast %min3A_173 : i32 to index
    %swap3A_362 = tpu.vector_load %arg5[%swap3A_360, %swap3A_361] {strides = array<i32>} : memref<8x10002xf32, #tpu.memory_space<vmem>>, vector<16xf32>,
    tpu.vector_store %arg5[%swap3A_360, %swap3A_361], %broadcast_in_dim3A_3 {strides = array<i32>} : memref<8x10002xf32, #tpu.memory_space<vmem>>, vector<16xf32>,
    %swap3A_363 = arith.constant 4 : i32
    %swap3A_364 = arith.index_cast %swap3A_363 : i32 to index
    %swap3A_365 = arith.index_cast %min3A_212 : i32 to index
    %swap3A_366 = tpu.vector_load %arg5[%swap3A_364, %swap3A_365] {strides = array<i32>} : memref<8x10002xf32, #tpu.memory_space<vmem>>, vector<16xf32>,
    tpu.vector_store %arg5[%swap3A_364, %swap3A_365], %broadcast_in_dim3A_3 {strides = array<i32>} : memref<8x10002xf32, #tpu.memory_space<vmem>>, vector<16xf32>,
    %swap3A_367 = arith.constant 5 : i32
    %swap3A_368 = arith.index_cast %swap3A_367 : i32 to index
    %swap3A_369 = arith.index_cast %min3A_251 : i32 to index
    %swap3A_370 = tpu.vector_load %arg5[%swap3A_368, %swap3A_369] {strides = array<i32>} : memref<8x10002xf32, #tpu.memory_space<vmem>>, vector<16xf32>,
    tpu.vector_store %arg5[%swap3A_368, %swap3A_369], %broadcast_in_dim3A_3 {strides = array<i32>} : memref<8x10002xf32, #tpu.memory_space<vmem>>, vector<16xf32>,
    %swap3A_371 = arith.constant 6 : i32
    %swap3A_372 = arith.index_cast %swap3A_371 : i32 to index
    %swap3A_373 = arith.index_cast %min3A_290 : i32 to index
    %swap3A_374 = tpu.vector_load %arg5[%swap3A_372, %swap3A_373] {strides = array<i32>} : memref<8x10002xf32, #tpu.memory_space<vmem>>, vector<16xf32>,
    tpu.vector_store %arg5[%swap3A_372, %swap3A_373], %broadcast_in_dim3A_3 {strides = array<i32>} : memref<8x10002xf32, #tpu.memory_space<vmem>>, vector<16xf32>,
    %swap3A_375 = arith.constant 7 : i32
    %swap3A_376 = arith.index_cast %swap3A_375 : i32 to index
    %swap3A_377 = arith.index_cast %min3A_329 : i32 to index
    %swap3A_378 = tpu.vector_load %arg5[%swap3A_376, %swap3A_377] {strides = array<i32>} : memref<8x10002xf32, #tpu.memory_space<vmem>>, vector<16xf32>,
    tpu.vector_store %arg5[%swap3A_376, %swap3A_377], %broadcast_in_dim3A_3 {strides = array<i32>} : memref<8x10002xf32, #tpu.memory_space<vmem>>, vector<16xf32>,
    %get3A_379 = arith.constant 0 : index
    %get3A_380 = tpu.vector_load %arg4[%get3A_379] {strides = array<i32>} : memref<32xi32, #tpu.memory_space<vmem>>, vector<16xi32>,
    %slice3A_381 = vector.extract_strided_slice %get3A_380 {offsets = [8], sizes = [1], strides = [1]} : vector<16xi32> to vector<1xi32>
    %squeeze3A_382 = vector.extract %slice3A_381[0] : i32 from vector<1xi32>
    %jit3A_383 = arith.constant 16 : i32
    %div3A_384 = arith.divsi %squeeze3A_382, %jit3A_383 : i32
    %sign3A_385 = arith.constant 0 : i32
    %sign3A_386 = arith.cmpi sgt, %squeeze3A_382, %sign3A_385 : i32
    %sign3A_387 = arith.extui %sign3A_386 : i1 to i32
    %sign3A_388 = arith.constant 0 : i32
    %sign3A_389 = arith.cmpi slt, %squeeze3A_382, %sign3A_388 : i32
    %sign3A_390 = arith.extui %sign3A_389 : i1 to i32
    %sign3A_391 = arith.subi %sign3A_387, %sign3A_390 : i32
    %sign3A_392 = arith.constant 0 : i32
    %sign3A_393 = arith.cmpi sgt, %jit3A_383, %sign3A_392 : i32
    %sign3A_394 = arith.extui %sign3A_393 : i1 to i32
    %sign3A_395 = arith.constant 0 : i32
    %sign3A_396 = arith.cmpi slt, %jit3A_383, %sign3A_395 : i32
    %sign3A_397 = arith.extui %sign3A_396 : i1 to i32
    %sign3A_398 = arith.subi %sign3A_394, %sign3A_397 : i32
    %ne3A_399 = arith.cmpi ne, %sign3A_391, %sign3A_398 : i32
    %rem3A_400 = arith.remsi %squeeze3A_382, %jit3A_383 : i32
    %ne3A_401 = arith.constant 0 : i32
    %ne3A_402 = arith.cmpi ne, %rem3A_400, %ne3A_401 : i32
    %and3A_403 = arith.andi %ne3A_399, %ne3A_402 : i1
    %sub3A_404 = arith.constant 1 : i32
    %sub3A_405 = arith.subi %div3A_384, %sub3A_404 : i32
    %select_n3A_406 = arith.select %and3A_403, %sub3A_405, %div3A_384 : i32
    %mul3A_407 = arith.constant 16 : i32
    %mul3A_408 = arith.muli %select_n3A_406, %mul3A_407 : i32
    %min3A_409 = arith.constant 9986 : i32
    %min3A_410 = arith.minsi %mul3A_408, %min3A_409 : i32
    %sub3A_411 = arith.subi %squeeze3A_382, %min3A_410 : i32
    %eq3A_412 = vector.broadcast %sub3A_411 : i32 to vector<16xi32>
    %eq3A_413 = arith.cmpi eq, %iota3A, %eq3A_412 : vector<16xi32>
    %convert_element_type3A_414 = arith.extui %eq3A_413 : vector<16xi1> to vector<16xi32>
    %convert_element_type3A_415 = arith.sitofp %convert_element_type3A_414 : vector<16xi32> to vector<16xf32>
    %swap3A_416 = arith.constant 0 : i32
    %swap3A_417 = arith.index_cast %swap3A_416 : i32 to index
    %swap3A_418 = arith.index_cast %min3A_410 : i32 to index
    %swap3A_419 = tpu.vector_load %arg5[%swap3A_417, %swap3A_418] {strides = array<i32>} : memref<8x10002xf32, #tpu.memory_space<vmem>>, vector<16xf32>,
    tpu.vector_store %arg5[%swap3A_417, %swap3A_418], %convert_element_type3A_415 {strides = array<i32>} : memref<8x10002xf32, #tpu.memory_space<vmem>>, vector<16xf32>,
    %slice3A_420 = vector.extract_strided_slice %get3A_380 {offsets = [9], sizes = [1], strides = [1]} : vector<16xi32> to vector<1xi32>
    %squeeze3A_421 = vector.extract %slice3A_420[0] : i32 from vector<1xi32>
    %jit3A_422 = arith.constant 16 : i32
    %div3A_423 = arith.divsi %squeeze3A_421, %jit3A_422 : i32
    %sign3A_424 = arith.constant 0 : i32
    %sign3A_425 = arith.cmpi sgt, %squeeze3A_421, %sign3A_424 : i32
    %sign3A_426 = arith.extui %sign3A_425 : i1 to i32
    %sign3A_427 = arith.constant 0 : i32
    %sign3A_428 = arith.cmpi slt, %squeeze3A_421, %sign3A_427 : i32
    %sign3A_429 = arith.extui %sign3A_428 : i1 to i32
    %sign3A_430 = arith.subi %sign3A_426, %sign3A_429 : i32
    %sign3A_431 = arith.constant 0 : i32
    %sign3A_432 = arith.cmpi sgt, %jit3A_422, %sign3A_431 : i32
    %sign3A_433 = arith.extui %sign3A_432 : i1 to i32
    %sign3A_434 = arith.constant 0 : i32
    %sign3A_435 = arith.cmpi slt, %jit3A_422, %sign3A_434 : i32
    %sign3A_436 = arith.extui %sign3A_435 : i1 to i32
    %sign3A_437 = arith.subi %sign3A_433, %sign3A_436 : i32
    %ne3A_438 = arith.cmpi ne, %sign3A_430, %sign3A_437 : i32
    %rem3A_439 = arith.remsi %squeeze3A_421, %jit3A_422 : i32
    %ne3A_440 = arith.constant 0 : i32
    %ne3A_441 = arith.cmpi ne, %rem3A_439, %ne3A_440 : i32
    %and3A_442 = arith.andi %ne3A_438, %ne3A_441 : i1
    %sub3A_443 = arith.constant 1 : i32
    %sub3A_444 = arith.subi %div3A_423, %sub3A_443 : i32
    %select_n3A_445 = arith.select %and3A_442, %sub3A_444, %div3A_423 : i32
    %mul3A_446 = arith.constant 16 : i32
    %mul3A_447 = arith.muli %select_n3A_445, %mul3A_446 : i32
    %min3A_448 = arith.constant 9986 : i32
    %min3A_449 = arith.minsi %mul3A_447, %min3A_448 : i32
    %sub3A_450 = arith.subi %squeeze3A_421, %min3A_449 : i32
    %eq3A_451 = vector.broadcast %sub3A_450 : i32 to vector<16xi32>
    %eq3A_452 = arith.cmpi eq, %iota3A, %eq3A_451 : vector<16xi32>
    %convert_element_type3A_453 = arith.extui %eq3A_452 : vector<16xi1> to vector<16xi32>
    %convert_element_type3A_454 = arith.sitofp %convert_element_type3A_453 : vector<16xi32> to vector<16xf32>
    %swap3A_455 = arith.constant 1 : i32
    %swap3A_456 = arith.index_cast %swap3A_455 : i32 to index
    %swap3A_457 = arith.index_cast %min3A_449 : i32 to index
    %swap3A_458 = tpu.vector_load %arg5[%swap3A_456, %swap3A_457] {strides = array<i32>} : memref<8x10002xf32, #tpu.memory_space<vmem>>, vector<16xf32>,
    tpu.vector_store %arg5[%swap3A_456, %swap3A_457], %convert_element_type3A_454 {strides = array<i32>} : memref<8x10002xf32, #tpu.memory_space<vmem>>, vector<16xf32>,
    %slice3A_459 = vector.extract_strided_slice %get3A_380 {offsets = [10], sizes = [1], strides = [1]} : vector<16xi32> to vector<1xi32>
    %squeeze3A_460 = vector.extract %slice3A_459[0] : i32 from vector<1xi32>
    %jit3A_461 = arith.constant 16 : i32
    %div3A_462 = arith.divsi %squeeze3A_460, %jit3A_461 : i32
    %sign3A_463 = arith.constant 0 : i32
    %sign3A_464 = arith.cmpi sgt, %squeeze3A_460, %sign3A_463 : i32
    %sign3A_465 = arith.extui %sign3A_464 : i1 to i32
    %sign3A_466 = arith.constant 0 : i32
    %sign3A_467 = arith.cmpi slt, %squeeze3A_460, %sign3A_466 : i32
    %sign3A_468 = arith.extui %sign3A_467 : i1 to i32
    %sign3A_469 = arith.subi %sign3A_465, %sign3A_468 : i32
    %sign3A_470 = arith.constant 0 : i32
    %sign3A_471 = arith.cmpi sgt, %jit3A_461, %sign3A_470 : i32
    %sign3A_472 = arith.extui %sign3A_471 : i1 to i32
    %sign3A_473 = arith.constant 0 : i32
    %sign3A_474 = arith.cmpi slt, %jit3A_461, %sign3A_473 : i32
    %sign3A_475 = arith.extui %sign3A_474 : i1 to i32
    %sign3A_476 = arith.subi %sign3A_472, %sign3A_475 : i32
    %ne3A_477 = arith.cmpi ne, %sign3A_469, %sign3A_476 : i32
    %rem3A_478 = arith.remsi %squeeze3A_460, %jit3A_461 : i32
    %ne3A_479 = arith.constant 0 : i32
    %ne3A_480 = arith.cmpi ne, %rem3A_478, %ne3A_479 : i32
    %and3A_481 = arith.andi %ne3A_477, %ne3A_480 : i1
    %sub3A_482 = arith.constant 1 : i32
    %sub3A_483 = arith.subi %div3A_462, %sub3A_482 : i32
    %select_n3A_484 = arith.select %and3A_481, %sub3A_483, %div3A_462 : i32
    %mul3A_485 = arith.constant 16 : i32
    %mul3A_486 = arith.muli %select_n3A_484, %mul3A_485 : i32
    %min3A_487 = arith.constant 9986 : i32
    %min3A_488 = arith.minsi %mul3A_486, %min3A_487 : i32
    %sub3A_489 = arith.subi %squeeze3A_460, %min3A_488 : i32
    %eq3A_490 = vector.broadcast %sub3A_489 : i32 to vector<16xi32>
    %eq3A_491 = arith.cmpi eq, %iota3A, %eq3A_490 : vector<16xi32>
    %convert_element_type3A_492 = arith.extui %eq3A_491 : vector<16xi1> to vector<16xi32>
    %convert_element_type3A_493 = arith.sitofp %convert_element_type3A_492 : vector<16xi32> to vector<16xf32>
    %swap3A_494 = arith.constant 2 : i32
    %swap3A_495 = arith.index_cast %swap3A_494 : i32 to index
    %swap3A_496 = arith.index_cast %min3A_488 : i32 to index
    %swap3A_497 = tpu.vector_load %arg5[%swap3A_495, %swap3A_496] {strides = array<i32>} : memref<8x10002xf32, #tpu.memory_space<vmem>>, vector<16xf32>,
    tpu.vector_store %arg5[%swap3A_495, %swap3A_496], %convert_element_type3A_493 {strides = array<i32>} : memref<8x10002xf32, #tpu.memory_space<vmem>>, vector<16xf32>,
    %slice3A_498 = vector.extract_strided_slice %get3A_380 {offsets = [11], sizes = [1], strides = [1]} : vector<16xi32> to vector<1xi32>
    %squeeze3A_499 = vector.extract %slice3A_498[0] : i32 from vector<1xi32>
    %jit3A_500 = arith.constant 16 : i32
    %div3A_501 = arith.divsi %squeeze3A_499, %jit3A_500 : i32
    %sign3A_502 = arith.constant 0 : i32
    %sign3A_503 = arith.cmpi sgt, %squeeze3A_499, %sign3A_502 : i32
    %sign3A_504 = arith.extui %sign3A_503 : i1 to i32
    %sign3A_505 = arith.constant 0 : i32
    %sign3A_506 = arith.cmpi slt, %squeeze3A_499, %sign3A_505 : i32
    %sign3A_507 = arith.extui %sign3A_506 : i1 to i32
    %sign3A_508 = arith.subi %sign3A_504, %sign3A_507 : i32
    %sign3A_509 = arith.constant 0 : i32
    %sign3A_510 = arith.cmpi sgt, %jit3A_500, %sign3A_509 : i32
    %sign3A_511 = arith.extui %sign3A_510 : i1 to i32
    %sign3A_512 = arith.constant 0 : i32
    %sign3A_513 = arith.cmpi slt, %jit3A_500, %sign3A_512 : i32
    %sign3A_514 = arith.extui %sign3A_513 : i1 to i32
    %sign3A_515 = arith.subi %sign3A_511, %sign3A_514 : i32
    %ne3A_516 = arith.cmpi ne, %sign3A_508, %sign3A_515 : i32
    %rem3A_517 = arith.remsi %squeeze3A_499, %jit3A_500 : i32
    %ne3A_518 = arith.constant 0 : i32
    %ne3A_519 = arith.cmpi ne, %rem3A_517, %ne3A_518 : i32
    %and3A_520 = arith.andi %ne3A_516, %ne3A_519 : i1
    %sub3A_521 = arith.constant 1 : i32
    %sub3A_522 = arith.subi %div3A_501, %sub3A_521 : i32
    %select_n3A_523 = arith.select %and3A_520, %sub3A_522, %div3A_501 : i32
    %mul3A_524 = arith.constant 16 : i32
    %mul3A_525 = arith.muli %select_n3A_523, %mul3A_524 : i32
    %min3A_526 = arith.constant 9986 : i32
    %min3A_527 = arith.minsi %mul3A_525, %min3A_526 : i32
    %sub3A_528 = arith.subi %squeeze3A_499, %min3A_527 : i32
    %eq3A_529 = vector.broadcast %sub3A_528 : i32 to vector<16xi32>
    %eq3A_530 = arith.cmpi eq, %iota3A, %eq3A_529 : vector<16xi32>
    %convert_element_type3A_531 = arith.extui %eq3A_530 : vector<16xi1> to vector<16xi32>
    %convert_element_type3A_532 = arith.sitofp %convert_element_type3A_531 : vector<16xi32> to vector<16xf32>
    %swap3A_533 = arith.constant 3 : i32
    %swap3A_534 = arith.index_cast %swap3A_533 : i32 to index
    %swap3A_535 = arith.index_cast %min3A_527 : i32 to index
    %swap3A_536 = tpu.vector_load %arg5[%swap3A_534, %swap3A_535] {strides = array<i32>} : memref<8x10002xf32, #tpu.memory_space<vmem>>, vector<16xf32>,
    tpu.vector_store %arg5[%swap3A_534, %swap3A_535], %convert_element_type3A_532 {strides = array<i32>} : memref<8x10002xf32, #tpu.memory_space<vmem>>, vector<16xf32>,
    %slice3A_537 = vector.extract_strided_slice %get3A_380 {offsets = [12], sizes = [1], strides = [1]} : vector<16xi32> to vector<1xi32>
    %squeeze3A_538 = vector.extract %slice3A_537[0] : i32 from vector<1xi32>
    %jit3A_539 = arith.constant 16 : i32
    %div3A_540 = arith.divsi %squeeze3A_538, %jit3A_539 : i32
    %sign3A_541 = arith.constant 0 : i32
    %sign3A_542 = arith.cmpi sgt, %squeeze3A_538, %sign3A_541 : i32
    %sign3A_543 = arith.extui %sign3A_542 : i1 to i32
    %sign3A_544 = arith.constant 0 : i32
    %sign3A_545 = arith.cmpi slt, %squeeze3A_538, %sign3A_544 : i32
    %sign3A_546 = arith.extui %sign3A_545 : i1 to i32
    %sign3A_547 = arith.subi %sign3A_543, %sign3A_546 : i32
    %sign3A_548 = arith.constant 0 : i32
    %sign3A_549 = arith.cmpi sgt, %jit3A_539, %sign3A_548 : i32
    %sign3A_550 = arith.extui %sign3A_549 : i1 to i32
    %sign3A_551 = arith.constant 0 : i32
    %sign3A_552 = arith.cmpi slt, %jit3A_539, %sign3A_551 : i32
    %sign3A_553 = arith.extui %sign3A_552 : i1 to i32
    %sign3A_554 = arith.subi %sign3A_550, %sign3A_553 : i32
    %ne3A_555 = arith.cmpi ne, %sign3A_547, %sign3A_554 : i32
    %rem3A_556 = arith.remsi %squeeze3A_538, %jit3A_539 : i32
    %ne3A_557 = arith.constant 0 : i32
    %ne3A_558 = arith.cmpi ne, %rem3A_556, %ne3A_557 : i32
    %and3A_559 = arith.andi %ne3A_555, %ne3A_558 : i1
    %sub3A_560 = arith.constant 1 : i32
    %sub3A_561 = arith.subi %div3A_540, %sub3A_560 : i32
    %select_n3A_562 = arith.select %and3A_559, %sub3A_561, %div3A_540 : i32
    %mul3A_563 = arith.constant 16 : i32
    %mul3A_564 = arith.muli %select_n3A_562, %mul3A_563 : i32
    %min3A_565 = arith.constant 9986 : i32
    %min3A_566 = arith.minsi %mul3A_564, %min3A_565 : i32
    %sub3A_567 = arith.subi %squeeze3A_538, %min3A_566 : i32
    %eq3A_568 = vector.broadcast %sub3A_567 : i32 to vector<16xi32>
    %eq3A_569 = arith.cmpi eq, %iota3A, %eq3A_568 : vector<16xi32>
    %convert_element_type3A_570 = arith.extui %eq3A_569 : vector<16xi1> to vector<16xi32>
    %convert_element_type3A_571 = arith.sitofp %convert_element_type3A_570 : vector<16xi32> to vector<16xf32>
    %swap3A_572 = arith.constant 4 : i32
    %swap3A_573 = arith.index_cast %swap3A_572 : i32 to index
    %swap3A_574 = arith.index_cast %min3A_566 : i32 to index
    %swap3A_575 = tpu.vector_load %arg5[%swap3A_573, %swap3A_574] {strides = array<i32>} : memref<8x10002xf32, #tpu.memory_space<vmem>>, vector<16xf32>,
    tpu.vector_store %arg5[%swap3A_573, %swap3A_574], %convert_element_type3A_571 {strides = array<i32>} : memref<8x10002xf32, #tpu.memory_space<vmem>>, vector<16xf32>,
    %slice3A_576 = vector.extract_strided_slice %get3A_380 {offsets = [13], sizes = [1], strides = [1]} : vector<16xi32> to vector<1xi32>
    %squeeze3A_577 = vector.extract %slice3A_576[0] : i32 from vector<1xi32>
    %jit3A_578 = arith.constant 16 : i32
    %div3A_579 = arith.divsi %squeeze3A_577, %jit3A_578 : i32
    %sign3A_580 = arith.constant 0 : i32
    %sign3A_581 = arith.cmpi sgt, %squeeze3A_577, %sign3A_580 : i32
    %sign3A_582 = arith.extui %sign3A_581 : i1 to i32
    %sign3A_583 = arith.constant 0 : i32
    %sign3A_584 = arith.cmpi slt, %squeeze3A_577, %sign3A_583 : i32
    %sign3A_585 = arith.extui %sign3A_584 : i1 to i32
    %sign3A_586 = arith.subi %sign3A_582, %sign3A_585 : i32
    %sign3A_587 = arith.constant 0 : i32
    %sign3A_588 = arith.cmpi sgt, %jit3A_578, %sign3A_587 : i32
    %sign3A_589 = arith.extui %sign3A_588 : i1 to i32
    %sign3A_590 = arith.constant 0 : i32
    %sign3A_591 = arith.cmpi slt, %jit3A_578, %sign3A_590 : i32
    %sign3A_592 = arith.extui %sign3A_591 : i1 to i32
    %sign3A_593 = arith.subi %sign3A_589, %sign3A_592 : i32
    %ne3A_594 = arith.cmpi ne, %sign3A_586, %sign3A_593 : i32
    %rem3A_595 = arith.remsi %squeeze3A_577, %jit3A_578 : i32
    %ne3A_596 = arith.constant 0 : i32
    %ne3A_597 = arith.cmpi ne, %rem3A_595, %ne3A_596 : i32
    %and3A_598 = arith.andi %ne3A_594, %ne3A_597 : i1
    %sub3A_599 = arith.constant 1 : i32
    %sub3A_600 = arith.subi %div3A_579, %sub3A_599 : i32
    %select_n3A_601 = arith.select %and3A_598, %sub3A_600, %div3A_579 : i32
    %mul3A_602 = arith.constant 16 : i32
    %mul3A_603 = arith.muli %select_n3A_601, %mul3A_602 : i32
    %min3A_604 = arith.constant 9986 : i32
    %min3A_605 = arith.minsi %mul3A_603, %min3A_604 : i32
    %sub3A_606 = arith.subi %squeeze3A_577, %min3A_605 : i32
    %eq3A_607 = vector.broadcast %sub3A_606 : i32 to vector<16xi32>
    %eq3A_608 = arith.cmpi eq, %iota3A, %eq3A_607 : vector<16xi32>
    %convert_element_type3A_609 = arith.extui %eq3A_608 : vector<16xi1> to vector<16xi32>
    %convert_element_type3A_610 = arith.sitofp %convert_element_type3A_609 : vector<16xi32> to vector<16xf32>
    %swap3A_611 = arith.constant 5 : i32
    %swap3A_612 = arith.index_cast %swap3A_611 : i32 to index
    %swap3A_613 = arith.index_cast %min3A_605 : i32 to index
    %swap3A_614 = tpu.vector_load %arg5[%swap3A_612, %swap3A_613] {strides = array<i32>} : memref<8x10002xf32, #tpu.memory_space<vmem>>, vector<16xf32>,
    tpu.vector_store %arg5[%swap3A_612, %swap3A_613], %convert_element_type3A_610 {strides = array<i32>} : memref<8x10002xf32, #tpu.memory_space<vmem>>, vector<16xf32>,
    %slice3A_615 = vector.extract_strided_slice %get3A_380 {offsets = [14], sizes = [1], strides = [1]} : vector<16xi32> to vector<1xi32>
    %squeeze3A_616 = vector.extract %slice3A_615[0] : i32 from vector<1xi32>
    %jit3A_617 = arith.constant 16 : i32
    %div3A_618 = arith.divsi %squeeze3A_616, %jit3A_617 : i32
    %sign3A_619 = arith.constant 0 : i32
    %sign3A_620 = arith.cmpi sgt, %squeeze3A_616, %sign3A_619 : i32
    %sign3A_621 = arith.extui %sign3A_620 : i1 to i32
    %sign3A_622 = arith.constant 0 : i32
    %sign3A_623 = arith.cmpi slt, %squeeze3A_616, %sign3A_622 : i32
    %sign3A_624 = arith.extui %sign3A_623 : i1 to i32
    %sign3A_625 = arith.subi %sign3A_621, %sign3A_624 : i32
    %sign3A_626 = arith.constant 0 : i32
    %sign3A_627 = arith.cmpi sgt, %jit3A_617, %sign3A_626 : i32
    %sign3A_628 = arith.extui %sign3A_627 : i1 to i32
    %sign3A_629 = arith.constant 0 : i32
    %sign3A_630 = arith.cmpi slt, %jit3A_617, %sign3A_629 : i32
    %sign3A_631 = arith.extui %sign3A_630 : i1 to i32
    %sign3A_632 = arith.subi %sign3A_628, %sign3A_631 : i32
    %ne3A_633 = arith.cmpi ne, %sign3A_625, %sign3A_632 : i32
    %rem3A_634 = arith.remsi %squeeze3A_616, %jit3A_617 : i32
    %ne3A_635 = arith.constant 0 : i32
    %ne3A_636 = arith.cmpi ne, %rem3A_634, %ne3A_635 : i32
    %and3A_637 = arith.andi %ne3A_633, %ne3A_636 : i1
    %sub3A_638 = arith.constant 1 : i32
    %sub3A_639 = arith.subi %div3A_618, %sub3A_638 : i32
    %select_n3A_640 = arith.select %and3A_637, %sub3A_639, %div3A_618 : i32
    %mul3A_641 = arith.constant 16 : i32
    %mul3A_642 = arith.muli %select_n3A_640, %mul3A_641 : i32
    %min3A_643 = arith.constant 9986 : i32
    %min3A_644 = arith.minsi %mul3A_642, %min3A_643 : i32
    %sub3A_645 = arith.subi %squeeze3A_616, %min3A_644 : i32
    %eq3A_646 = vector.broadcast %sub3A_645 : i32 to vector<16xi32>
    %eq3A_647 = arith.cmpi eq, %iota3A, %eq3A_646 : vector<16xi32>
    %convert_element_type3A_648 = arith.extui %eq3A_647 : vector<16xi1> to vector<16xi32>
    %convert_element_type3A_649 = arith.sitofp %convert_element_type3A_648 : vector<16xi32> to vector<16xf32>
    %swap3A_650 = arith.constant 6 : i32
    %swap3A_651 = arith.index_cast %swap3A_650 : i32 to index
    %swap3A_652 = arith.index_cast %min3A_644 : i32 to index
    %swap3A_653 = tpu.vector_load %arg5[%swap3A_651, %swap3A_652] {strides = array<i32>} : memref<8x10002xf32, #tpu.memory_space<vmem>>, vector<16xf32>,
    tpu.vector_store %arg5[%swap3A_651, %swap3A_652], %convert_element_type3A_649 {strides = array<i32>} : memref<8x10002xf32, #tpu.memory_space<vmem>>, vector<16xf32>,
    %slice3A_654 = vector.extract_strided_slice %get3A_380 {offsets = [15], sizes = [1], strides = [1]} : vector<16xi32> to vector<1xi32>
    %squeeze3A_655 = vector.extract %slice3A_654[0] : i32 from vector<1xi32>
    %jit3A_656 = arith.constant 16 : i32
    %div3A_657 = arith.divsi %squeeze3A_655, %jit3A_656 : i32
    %sign3A_658 = arith.constant 0 : i32
    %sign3A_659 = arith.cmpi sgt, %squeeze3A_655, %sign3A_658 : i32
    %sign3A_660 = arith.extui %sign3A_659 : i1 to i32
    %sign3A_661 = arith.constant 0 : i32
    %sign3A_662 = arith.cmpi slt, %squeeze3A_655, %sign3A_661 : i32
    %sign3A_663 = arith.extui %sign3A_662 : i1 to i32
    %sign3A_664 = arith.subi %sign3A_660, %sign3A_663 : i32
    %sign3A_665 = arith.constant 0 : i32
    %sign3A_666 = arith.cmpi sgt, %jit3A_656, %sign3A_665 : i32
    %sign3A_667 = arith.extui %sign3A_666 : i1 to i32
    %sign3A_668 = arith.constant 0 : i32
    %sign3A_669 = arith.cmpi slt, %jit3A_656, %sign3A_668 : i32
    %sign3A_670 = arith.extui %sign3A_669 : i1 to i32
    %sign3A_671 = arith.subi %sign3A_667, %sign3A_670 : i32
    %ne3A_672 = arith.cmpi ne, %sign3A_664, %sign3A_671 : i32
    %rem3A_673 = arith.remsi %squeeze3A_655, %jit3A_656 : i32
    %ne3A_674 = arith.constant 0 : i32
    %ne3A_675 = arith.cmpi ne, %rem3A_673, %ne3A_674 : i32
    %and3A_676 = arith.andi %ne3A_672, %ne3A_675 : i1
    %sub3A_677 = arith.constant 1 : i32
    %sub3A_678 = arith.subi %div3A_657, %sub3A_677 : i32
    %select_n3A_679 = arith.select %and3A_676, %sub3A_678, %div3A_657 : i32
    %mul3A_680 = arith.constant 16 : i32
    %mul3A_681 = arith.muli %select_n3A_679, %mul3A_680 : i32
    %min3A_682 = arith.constant 9986 : i32
    %min3A_683 = arith.minsi %mul3A_681, %min3A_682 : i32
    %sub3A_684 = arith.subi %squeeze3A_655, %min3A_683 : i32
    %eq3A_685 = vector.broadcast %sub3A_684 : i32 to vector<16xi32>
    %eq3A_686 = arith.cmpi eq, %iota3A, %eq3A_685 : vector<16xi32>
    %convert_element_type3A_687 = arith.extui %eq3A_686 : vector<16xi1> to vector<16xi32>
    %convert_element_type3A_688 = arith.sitofp %convert_element_type3A_687 : vector<16xi32> to vector<16xf32>
    %swap3A_689 = arith.constant 7 : i32
    %swap3A_690 = arith.index_cast %swap3A_689 : i32 to index
    %swap3A_691 = arith.index_cast %min3A_683 : i32 to index
    %swap3A_692 = tpu.vector_load %arg5[%swap3A_690, %swap3A_691] {strides = array<i32>} : memref<8x10002xf32, #tpu.memory_space<vmem>>, vector<16xf32>,
    tpu.vector_store %arg5[%swap3A_690, %swap3A_691], %convert_element_type3A_688 {strides = array<i32>} : memref<8x10002xf32, #tpu.memory_space<vmem>>, vector<16xf32>,
    %add3A_693 = arith.constant 8 : i32
    %add3A_694 = arith.addi %mul3A_2, %add3A_693 : i32
    %multiple_of3A_695 = tpu.assume_multiple %add3A_694, 8 : i32
    %dma_start3A_696 = arith.constant 0 : i32
    %dma_start3A_697 = tpu.memref_slice %arg3[%multiple_of3A_695, %dma_start3A_696] : memref<1024x10002xf32, #tpu.memory_space<hbm>> -> memref<8x10002xf32, #tpu.memory_space<hbm>>
    %dma_start3A_698 = arith.constant 0 : i32
    %dma_start3A_699 = tpu.memref_slice %arg3[%multiple_of3A_695, %dma_start3A_698] : memref<1024x10002xf32, #tpu.memory_space<hbm>> -> memref<8x10002xf32, #tpu.memory_space<hbm>>
    tpu.enqueue_dma source(%arg5 : memref<8x10002xf32, #tpu.memory_space<vmem>>) target(%dma_start3A_699 : memref<8x10002xf32, #tpu.memory_space<hbm>>) target_semaphore(%arg6 : memref<!tpu.dma_semaphore, #tpu.memory_space<semaphore_mem>>)
    %dma_wait3A_700 = arith.constant 0 : i32
    %dma_wait3A_701 = tpu.memref_slice %arg3[%multiple_of3A_695, %dma_wait3A_700] : memref<1024x10002xf32, #tpu.memory_space<hbm>> -> memref<8x10002xf32, #tpu.memory_space<hbm>>
    %dma_wait3A_702 = arith.constant 0 : i32
    %dma_wait3A_703 = tpu.memref_slice %arg3[%multiple_of3A_695, %dma_wait3A_702] : memref<1024x10002xf32, #tpu.memory_space<hbm>> -> memref<8x10002xf32, #tpu.memory_space<hbm>>
    tpu.wait_dma2 semaphore(%arg6 : memref<!tpu.dma_semaphore, #tpu.memory_space<semaphore_mem>>) src(%arg5 : memref<8x10002xf32, #tpu.memory_space<vmem>>) dst(%dma_wait3A_703 : memref<8x10002xf32, #tpu.memory_space<hbm>>)
    %swap3A_704 = arith.constant 0 : i32
    %swap3A_705 = arith.index_cast %swap3A_704 : i32 to index
    %swap3A_706 = arith.index_cast %min3A_410 : i32 to index
    %swap3A_707 = tpu.vector_load %arg5[%swap3A_705, %swap3A_706] {strides = array<i32>} : memref<8x10002xf32, #tpu.memory_space<vmem>>, vector<16xf32>,
    tpu.vector_store %arg5[%swap3A_705, %swap3A_706], %broadcast_in_dim3A_3 {strides = array<i32>} : memref<8x10002xf32, #tpu.memory_space<vmem>>, vector<16xf32>,
    %swap3A_708 = arith.constant 1 : i32
    %swap3A_709 = arith.index_cast %swap3A_708 : i32 to index
    %swap3A_710 = arith.index_cast %min3A_449 : i32 to index
    %swap3A_711 = tpu.vector_load %arg5[%swap3A_709, %swap3A_710] {strides = array<i32>} : memref<8x10002xf32, #tpu.memory_space<vmem>>, vector<16xf32>,
    tpu.vector_store %arg5[%swap3A_709, %swap3A_710], %broadcast_in_dim3A_3 {strides = array<i32>} : memref<8x10002xf32, #tpu.memory_space<vmem>>, vector<16xf32>,
    %swap3A_712 = arith.constant 2 : i32
    %swap3A_713 = arith.index_cast %swap3A_712 : i32 to index
    %swap3A_714 = arith.index_cast %min3A_488 : i32 to index
    %swap3A_715 = tpu.vector_load %arg5[%swap3A_713, %swap3A_714] {strides = array<i32>} : memref<8x10002xf32, #tpu.memory_space<vmem>>, vector<16xf32>,
    tpu.vector_store %arg5[%swap3A_713, %swap3A_714], %broadcast_in_dim3A_3 {strides = array<i32>} : memref<8x10002xf32, #tpu.memory_space<vmem>>, vector<16xf32>,
    %swap3A_716 = arith.constant 3 : i32
    %swap3A_717 = arith.index_cast %swap3A_716 : i32 to index
    %swap3A_718 = arith.index_cast %min3A_527 : i32 to index
    %swap3A_719 = tpu.vector_load %arg5[%swap3A_717, %swap3A_718] {strides = array<i32>} : memref<8x10002xf32, #tpu.memory_space<vmem>>, vector<16xf32>,
    tpu.vector_store %arg5[%swap3A_717, %swap3A_718], %broadcast_in_dim3A_3 {strides = array<i32>} : memref<8x10002xf32, #tpu.memory_space<vmem>>, vector<16xf32>,
    %swap3A_720 = arith.constant 4 : i32
    %swap3A_721 = arith.index_cast %swap3A_720 : i32 to index
    %swap3A_722 = arith.index_cast %min3A_566 : i32 to index
    %swap3A_723 = tpu.vector_load %arg5[%swap3A_721, %swap3A_722] {strides = array<i32>} : memref<8x10002xf32, #tpu.memory_space<vmem>>, vector<16xf32>,
    tpu.vector_store %arg5[%swap3A_721, %swap3A_722], %broadcast_in_dim3A_3 {strides = array<i32>} : memref<8x10002xf32, #tpu.memory_space<vmem>>, vector<16xf32>,
    %swap3A_724 = arith.constant 5 : i32
    %swap3A_725 = arith.index_cast %swap3A_724 : i32 to index
    %swap3A_726 = arith.index_cast %min3A_605 : i32 to index
    %swap3A_727 = tpu.vector_load %arg5[%swap3A_725, %swap3A_726] {strides = array<i32>} : memref<8x10002xf32, #tpu.memory_space<vmem>>, vector<16xf32>,
    tpu.vector_store %arg5[%swap3A_725, %swap3A_726], %broadcast_in_dim3A_3 {strides = array<i32>} : memref<8x10002xf32, #tpu.memory_space<vmem>>, vector<16xf32>,
    %swap3A_728 = arith.constant 6 : i32
    %swap3A_729 = arith.index_cast %swap3A_728 : i32 to index
    %swap3A_730 = arith.index_cast %min3A_644 : i32 to index
    %swap3A_731 = tpu.vector_load %arg5[%swap3A_729, %swap3A_730] {strides = array<i32>} : memref<8x10002xf32, #tpu.memory_space<vmem>>, vector<16xf32>,
    tpu.vector_store %arg5[%swap3A_729, %swap3A_730], %broadcast_in_dim3A_3 {strides = array<i32>} : memref<8x10002xf32, #tpu.memory_space<vmem>>, vector<16xf32>,
    %swap3A_732 = arith.constant 7 : i32
    %swap3A_733 = arith.index_cast %swap3A_732 : i32 to index
    %swap3A_734 = arith.index_cast %min3A_683 : i32 to index
    %swap3A_735 = tpu.vector_load %arg5[%swap3A_733, %swap3A_734] {strides = array<i32>} : memref<8x10002xf32, #tpu.memory_space<vmem>>, vector<16xf32>,
    tpu.vector_store %arg5[%swap3A_733, %swap3A_734], %broadcast_in_dim3A_3 {strides = array<i32>} : memref<8x10002xf32, #tpu.memory_space<vmem>>, vector<16xf32>,
    %get3A_736 = arith.constant 16 : index
    %get3A_737 = tpu.vector_load %arg4[%get3A_736] {strides = array<i32>} : memref<32xi32, #tpu.memory_space<vmem>>, vector<16xi32>,
    %slice3A_738 = vector.extract_strided_slice %get3A_737 {offsets = [0], sizes = [1], strides = [1]} : vector<16xi32> to vector<1xi32>
    %squeeze3A_739 = vector.extract %slice3A_738[0] : i32 from vector<1xi32>
    %jit3A_740 = arith.constant 16 : i32
    %div3A_741 = arith.divsi %squeeze3A_739, %jit3A_740 : i32
    %sign3A_742 = arith.constant 0 : i32
    %sign3A_743 = arith.cmpi sgt, %squeeze3A_739, %sign3A_742 : i32
    %sign3A_744 = arith.extui %sign3A_743 : i1 to i32
    %sign3A_745 = arith.constant 0 : i32
    %sign3A_746 = arith.cmpi slt, %squeeze3A_739, %sign3A_745 : i32
    %sign3A_747 = arith.extui %sign3A_746 : i1 to i32
    %sign3A_748 = arith.subi %sign3A_744, %sign3A_747 : i32
    %sign3A_749 = arith.constant 0 : i32
    %sign3A_750 = arith.cmpi sgt, %jit3A_740, %sign3A_749 : i32
    %sign3A_751 = arith.extui %sign3A_750 : i1 to i32
    %sign3A_752 = arith.constant 0 : i32
    %sign3A_753 = arith.cmpi slt, %jit3A_740, %sign3A_752 : i32
    %sign3A_754 = arith.extui %sign3A_753 : i1 to i32
    %sign3A_755 = arith.subi %sign3A_751, %sign3A_754 : i32
    %ne3A_756 = arith.cmpi ne, %sign3A_748, %sign3A_755 : i32
    %rem3A_757 = arith.remsi %squeeze3A_739, %jit3A_740 : i32
    %ne3A_758 = arith.constant 0 : i32
    %ne3A_759 = arith.cmpi ne, %rem3A_757, %ne3A_758 : i32
    %and3A_760 = arith.andi %ne3A_756, %ne3A_759 : i1
    %sub3A_761 = arith.constant 1 : i32
    %sub3A_762 = arith.subi %div3A_741, %sub3A_761 : i32
    %select_n3A_763 = arith.select %and3A_760, %sub3A_762, %div3A_741 : i32
    %mul3A_764 = arith.constant 16 : i32
    %mul3A_765 = arith.muli %select_n3A_763, %mul3A_764 : i32
    %min3A_766 = arith.constant 9986 : i32
    %min3A_767 = arith.minsi %mul3A_765, %min3A_766 : i32
    %sub3A_768 = arith.subi %squeeze3A_739, %min3A_767 : i32
    %eq3A_769 = vector.broadcast %sub3A_768 : i32 to vector<16xi32>
    %eq3A_770 = arith.cmpi eq, %iota3A, %eq3A_769 : vector<16xi32>
    %convert_element_type3A_771 = arith.extui %eq3A_770 : vector<16xi1> to vector<16xi32>
    %convert_element_type3A_772 = arith.sitofp %convert_element_type3A_771 : vector<16xi32> to vector<16xf32>
    %swap3A_773 = arith.constant 0 : i32
    %swap3A_774 = arith.index_cast %swap3A_773 : i32 to index
    %swap3A_775 = arith.index_cast %min3A_767 : i32 to index
    %swap3A_776 = tpu.vector_load %arg5[%swap3A_774, %swap3A_775] {strides = array<i32>} : memref<8x10002xf32, #tpu.memory_space<vmem>>, vector<16xf32>,
    tpu.vector_store %arg5[%swap3A_774, %swap3A_775], %convert_element_type3A_772 {strides = array<i32>} : memref<8x10002xf32, #tpu.memory_space<vmem>>, vector<16xf32>,
    %slice3A_777 = vector.extract_strided_slice %get3A_737 {offsets = [1], sizes = [1], strides = [1]} : vector<16xi32> to vector<1xi32>
    %squeeze3A_778 = vector.extract %slice3A_777[0] : i32 from vector<1xi32>
    %jit3A_779 = arith.constant 16 : i32
    %div3A_780 = arith.divsi %squeeze3A_778, %jit3A_779 : i32
    %sign3A_781 = arith.constant 0 : i32
    %sign3A_782 = arith.cmpi sgt, %squeeze3A_778, %sign3A_781 : i32
    %sign3A_783 = arith.extui %sign3A_782 : i1 to i32
    %sign3A_784 = arith.constant 0 : i32
    %sign3A_785 = arith.cmpi slt, %squeeze3A_778, %sign3A_784 : i32
    %sign3A_786 = arith.extui %sign3A_785 : i1 to i32
    %sign3A_787 = arith.subi %sign3A_783, %sign3A_786 : i32
    %sign3A_788 = arith.constant 0 : i32
    %sign3A_789 = arith.cmpi sgt, %jit3A_779, %sign3A_788 : i32
    %sign3A_790 = arith.extui %sign3A_789 : i1 to i32
    %sign3A_791 = arith.constant 0 : i32
    %sign3A_792 = arith.cmpi slt, %jit3A_779, %sign3A_791 : i32
    %sign3A_793 = arith.extui %sign3A_792 : i1 to i32
    %sign3A_794 = arith.subi %sign3A_790, %sign3A_793 : i32
    %ne3A_795 = arith.cmpi ne, %sign3A_787, %sign3A_794 : i32
    %rem3A_796 = arith.remsi %squeeze3A_778, %jit3A_779 : i32
    %ne3A_797 = arith.constant 0 : i32
    %ne3A_798 = arith.cmpi ne, %rem3A_796, %ne3A_797 : i32
    %and3A_799 = arith.andi %ne3A_795, %ne3A_798 : i1
    %sub3A_800 = arith.constant 1 : i32
    %sub3A_801 = arith.subi %div3A_780, %sub3A_800 : i32
    %select_n3A_802 = arith.select %and3A_799, %sub3A_801, %div3A_780 : i32
    %mul3A_803 = arith.constant 16 : i32
    %mul3A_804 = arith.muli %select_n3A_802, %mul3A_803 : i32
    %min3A_805 = arith.constant 9986 : i32
    %min3A_806 = arith.minsi %mul3A_804, %min3A_805 : i32
    %sub3A_807 = arith.subi %squeeze3A_778, %min3A_806 : i32
    %eq3A_808 = vector.broadcast %sub3A_807 : i32 to vector<16xi32>
    %eq3A_809 = arith.cmpi eq, %iota3A, %eq3A_808 : vector<16xi32>
    %convert_element_type3A_810 = arith.extui %eq3A_809 : vector<16xi1> to vector<16xi32>
    %convert_element_type3A_811 = arith.sitofp %convert_element_type3A_810 : vector<16xi32> to vector<16xf32>
    %swap3A_812 = arith.constant 1 : i32
    %swap3A_813 = arith.index_cast %swap3A_812 : i32 to index
    %swap3A_814 = arith.index_cast %min3A_806 : i32 to index
    %swap3A_815 = tpu.vector_load %arg5[%swap3A_813, %swap3A_814] {strides = array<i32>} : memref<8x10002xf32, #tpu.memory_space<vmem>>, vector<16xf32>,
    tpu.vector_store %arg5[%swap3A_813, %swap3A_814], %convert_element_type3A_811 {strides = array<i32>} : memref<8x10002xf32, #tpu.memory_space<vmem>>, vector<16xf32>,
    %slice3A_816 = vector.extract_strided_slice %get3A_737 {offsets = [2], sizes = [1], strides = [1]} : vector<16xi32> to vector<1xi32>
    %squeeze3A_817 = vector.extract %slice3A_816[0] : i32 from vector<1xi32>
    %jit3A_818 = arith.constant 16 : i32
    %div3A_819 = arith.divsi %squeeze3A_817, %jit3A_818 : i32
    %sign3A_820 = arith.constant 0 : i32
    %sign3A_821 = arith.cmpi sgt, %squeeze3A_817, %sign3A_820 : i32
    %sign3A_822 = arith.extui %sign3A_821 : i1 to i32
    %sign3A_823 = arith.constant 0 : i32
    %sign3A_824 = arith.cmpi slt, %squeeze3A_817, %sign3A_823 : i32
    %sign3A_825 = arith.extui %sign3A_824 : i1 to i32
    %sign3A_826 = arith.subi %sign3A_822, %sign3A_825 : i32
    %sign3A_827 = arith.constant 0 : i32
    %sign3A_828 = arith.cmpi sgt, %jit3A_818, %sign3A_827 : i32
    %sign3A_829 = arith.extui %sign3A_828 : i1 to i32
    %sign3A_830 = arith.constant 0 : i32
    %sign3A_831 = arith.cmpi slt, %jit3A_818, %sign3A_830 : i32
    %sign3A_832 = arith.extui %sign3A_831 : i1 to i32
    %sign3A_833 = arith.subi %sign3A_829, %sign3A_832 : i32
    %ne3A_834 = arith.cmpi ne, %sign3A_826, %sign3A_833 : i32
    %rem3A_835 = arith.remsi %squeeze3A_817, %jit3A_818 : i32
    %ne3A_836 = arith.constant 0 : i32
    %ne3A_837 = arith.cmpi ne, %rem3A_835, %ne3A_836 : i32
    %and3A_838 = arith.andi %ne3A_834, %ne3A_837 : i1
    %sub3A_839 = arith.constant 1 : i32
    %sub3A_840 = arith.subi %div3A_819, %sub3A_839 : i32
    %select_n3A_841 = arith.select %and3A_838, %sub3A_840, %div3A_819 : i32
    %mul3A_842 = arith.constant 16 : i32
    %mul3A_843 = arith.muli %select_n3A_841, %mul3A_842 : i32
    %min3A_844 = arith.constant 9986 : i32
    %min3A_845 = arith.minsi %mul3A_843, %min3A_844 : i32
    %sub3A_846 = arith.subi %squeeze3A_817, %min3A_845 : i32
    %eq3A_847 = vector.broadcast %sub3A_846 : i32 to vector<16xi32>
    %eq3A_848 = arith.cmpi eq, %iota3A, %eq3A_847 : vector<16xi32>
    %convert_element_type3A_849 = arith.extui %eq3A_848 : vector<16xi1> to vector<16xi32>
    %convert_element_type3A_850 = arith.sitofp %convert_element_type3A_849 : vector<16xi32> to vector<16xf32>
    %swap3A_851 = arith.constant 2 : i32
    %swap3A_852 = arith.index_cast %swap3A_851 : i32 to index
    %swap3A_853 = arith.index_cast %min3A_845 : i32 to index
    %swap3A_854 = tpu.vector_load %arg5[%swap3A_852, %swap3A_853] {strides = array<i32>} : memref<8x10002xf32, #tpu.memory_space<vmem>>, vector<16xf32>,
    tpu.vector_store %arg5[%swap3A_852, %swap3A_853], %convert_element_type3A_850 {strides = array<i32>} : memref<8x10002xf32, #tpu.memory_space<vmem>>, vector<16xf32>,
    %slice3A_855 = vector.extract_strided_slice %get3A_737 {offsets = [3], sizes = [1], strides = [1]} : vector<16xi32> to vector<1xi32>
    %squeeze3A_856 = vector.extract %slice3A_855[0] : i32 from vector<1xi32>
    %jit3A_857 = arith.constant 16 : i32
    %div3A_858 = arith.divsi %squeeze3A_856, %jit3A_857 : i32
    %sign3A_859 = arith.constant 0 : i32
    %sign3A_860 = arith.cmpi sgt, %squeeze3A_856, %sign3A_859 : i32
    %sign3A_861 = arith.extui %sign3A_860 : i1 to i32
    %sign3A_862 = arith.constant 0 : i32
    %sign3A_863 = arith.cmpi slt, %squeeze3A_856, %sign3A_862 : i32
    %sign3A_864 = arith.extui %sign3A_863 : i1 to i32
    %sign3A_865 = arith.subi %sign3A_861, %sign3A_864 : i32
    %sign3A_866 = arith.constant 0 : i32
    %sign3A_867 = arith.cmpi sgt, %jit3A_857, %sign3A_866 : i32
    %sign3A_868 = arith.extui %sign3A_867 : i1 to i32
    %sign3A_869 = arith.constant 0 : i32
    %sign3A_870 = arith.cmpi slt, %jit3A_857, %sign3A_869 : i32
    %sign3A_871 = arith.extui %sign3A_870 : i1 to i32
    %sign3A_872 = arith.subi %sign3A_868, %sign3A_871 : i32
    %ne3A_873 = arith.cmpi ne, %sign3A_865, %sign3A_872 : i32
    %rem3A_874 = arith.remsi %squeeze3A_856, %jit3A_857 : i32
    %ne3A_875 = arith.constant 0 : i32
    %ne3A_876 = arith.cmpi ne, %rem3A_874, %ne3A_875 : i32
    %and3A_877 = arith.andi %ne3A_873, %ne3A_876 : i1
    %sub3A_878 = arith.constant 1 : i32
    %sub3A_879 = arith.subi %div3A_858, %sub3A_878 : i32
    %select_n3A_880 = arith.select %and3A_877, %sub3A_879, %div3A_858 : i32
    %mul3A_881 = arith.constant 16 : i32
    %mul3A_882 = arith.muli %select_n3A_880, %mul3A_881 : i32
    %min3A_883 = arith.constant 9986 : i32
    %min3A_884 = arith.minsi %mul3A_882, %min3A_883 : i32
    %sub3A_885 = arith.subi %squeeze3A_856, %min3A_884 : i32
    %eq3A_886 = vector.broadcast %sub3A_885 : i32 to vector<16xi32>
    %eq3A_887 = arith.cmpi eq, %iota3A, %eq3A_886 : vector<16xi32>
    %convert_element_type3A_888 = arith.extui %eq3A_887 : vector<16xi1> to vector<16xi32>
    %convert_element_type3A_889 = arith.sitofp %convert_element_type3A_888 : vector<16xi32> to vector<16xf32>
    %swap3A_890 = arith.constant 3 : i32
    %swap3A_891 = arith.index_cast %swap3A_890 : i32 to index
    %swap3A_892 = arith.index_cast %min3A_884 : i32 to index
    %swap3A_893 = tpu.vector_load %arg5[%swap3A_891, %swap3A_892] {strides = array<i32>} : memref<8x10002xf32, #tpu.memory_space<vmem>>, vector<16xf32>,
    tpu.vector_store %arg5[%swap3A_891, %swap3A_892], %convert_element_type3A_889 {strides = array<i32>} : memref<8x10002xf32, #tpu.memory_space<vmem>>, vector<16xf32>,
    %slice3A_894 = vector.extract_strided_slice %get3A_737 {offsets = [4], sizes = [1], strides = [1]} : vector<16xi32> to vector<1xi32>
    %squeeze3A_895 = vector.extract %slice3A_894[0] : i32 from vector<1xi32>
    %jit3A_896 = arith.constant 16 : i32
    %div3A_897 = arith.divsi %squeeze3A_895, %jit3A_896 : i32
    %sign3A_898 = arith.constant 0 : i32
    %sign3A_899 = arith.cmpi sgt, %squeeze3A_895, %sign3A_898 : i32
    %sign3A_900 = arith.extui %sign3A_899 : i1 to i32
    %sign3A_901 = arith.constant 0 : i32
    %sign3A_902 = arith.cmpi slt, %squeeze3A_895, %sign3A_901 : i32
    %sign3A_903 = arith.extui %sign3A_902 : i1 to i32
    %sign3A_904 = arith.subi %sign3A_900, %sign3A_903 : i32
    %sign3A_905 = arith.constant 0 : i32
    %sign3A_906 = arith.cmpi sgt, %jit3A_896, %sign3A_905 : i32
    %sign3A_907 = arith.extui %sign3A_906 : i1 to i32
    %sign3A_908 = arith.constant 0 : i32
    %sign3A_909 = arith.cmpi slt, %jit3A_896, %sign3A_908 : i32
    %sign3A_910 = arith.extui %sign3A_909 : i1 to i32
    %sign3A_911 = arith.subi %sign3A_907, %sign3A_910 : i32
    %ne3A_912 = arith.cmpi ne, %sign3A_904, %sign3A_911 : i32
    %rem3A_913 = arith.remsi %squeeze3A_895, %jit3A_896 : i32
    %ne3A_914 = arith.constant 0 : i32
    %ne3A_915 = arith.cmpi ne, %rem3A_913, %ne3A_914 : i32
    %and3A_916 = arith.andi %ne3A_912, %ne3A_915 : i1
    %sub3A_917 = arith.constant 1 : i32
    %sub3A_918 = arith.subi %div3A_897, %sub3A_917 : i32
    %select_n3A_919 = arith.select %and3A_916, %sub3A_918, %div3A_897 : i32
    %mul3A_920 = arith.constant 16 : i32
    %mul3A_921 = arith.muli %select_n3A_919, %mul3A_920 : i32
    %min3A_922 = arith.constant 9986 : i32
    %min3A_923 = arith.minsi %mul3A_921, %min3A_922 : i32
    %sub3A_924 = arith.subi %squeeze3A_895, %min3A_923 : i32
    %eq3A_925 = vector.broadcast %sub3A_924 : i32 to vector<16xi32>
    %eq3A_926 = arith.cmpi eq, %iota3A, %eq3A_925 : vector<16xi32>
    %convert_element_type3A_927 = arith.extui %eq3A_926 : vector<16xi1> to vector<16xi32>
    %convert_element_type3A_928 = arith.sitofp %convert_element_type3A_927 : vector<16xi32> to vector<16xf32>
    %swap3A_929 = arith.constant 4 : i32
    %swap3A_930 = arith.index_cast %swap3A_929 : i32 to index
    %swap3A_931 = arith.index_cast %min3A_923 : i32 to index
    %swap3A_932 = tpu.vector_load %arg5[%swap3A_930, %swap3A_931] {strides = array<i32>} : memref<8x10002xf32, #tpu.memory_space<vmem>>, vector<16xf32>,
    tpu.vector_store %arg5[%swap3A_930, %swap3A_931], %convert_element_type3A_928 {strides = array<i32>} : memref<8x10002xf32, #tpu.memory_space<vmem>>, vector<16xf32>,
    %slice3A_933 = vector.extract_strided_slice %get3A_737 {offsets = [5], sizes = [1], strides = [1]} : vector<16xi32> to vector<1xi32>
    %squeeze3A_934 = vector.extract %slice3A_933[0] : i32 from vector<1xi32>
    %jit3A_935 = arith.constant 16 : i32
    %div3A_936 = arith.divsi %squeeze3A_934, %jit3A_935 : i32
    %sign3A_937 = arith.constant 0 : i32
    %sign3A_938 = arith.cmpi sgt, %squeeze3A_934, %sign3A_937 : i32
    %sign3A_939 = arith.extui %sign3A_938 : i1 to i32
    %sign3A_940 = arith.constant 0 : i32
    %sign3A_941 = arith.cmpi slt, %squeeze3A_934, %sign3A_940 : i32
    %sign3A_942 = arith.extui %sign3A_941 : i1 to i32
    %sign3A_943 = arith.subi %sign3A_939, %sign3A_942 : i32
    %sign3A_944 = arith.constant 0 : i32
    %sign3A_945 = arith.cmpi sgt, %jit3A_935, %sign3A_944 : i32
    %sign3A_946 = arith.extui %sign3A_945 : i1 to i32
    %sign3A_947 = arith.constant 0 : i32
    %sign3A_948 = arith.cmpi slt, %jit3A_935, %sign3A_947 : i32
    %sign3A_949 = arith.extui %sign3A_948 : i1 to i32
    %sign3A_950 = arith.subi %sign3A_946, %sign3A_949 : i32
    %ne3A_951 = arith.cmpi ne, %sign3A_943, %sign3A_950 : i32
    %rem3A_952 = arith.remsi %squeeze3A_934, %jit3A_935 : i32
    %ne3A_953 = arith.constant 0 : i32
    %ne3A_954 = arith.cmpi ne, %rem3A_952, %ne3A_953 : i32
    %and3A_955 = arith.andi %ne3A_951, %ne3A_954 : i1
    %sub3A_956 = arith.constant 1 : i32
    %sub3A_957 = arith.subi %div3A_936, %sub3A_956 : i32
    %select_n3A_958 = arith.select %and3A_955, %sub3A_957, %div3A_936 : i32
    %mul3A_959 = arith.constant 16 : i32
    %mul3A_960 = arith.muli %select_n3A_958, %mul3A_959 : i32
    %min3A_961 = arith.constant 9986 : i32
    %min3A_962 = arith.minsi %mul3A_960, %min3A_961 : i32
    %sub3A_963 = arith.subi %squeeze3A_934, %min3A_962 : i32
    %eq3A_964 = vector.broadcast %sub3A_963 : i32 to vector<16xi32>
    %eq3A_965 = arith.cmpi eq, %iota3A, %eq3A_964 : vector<16xi32>
    %convert_element_type3A_966 = arith.extui %eq3A_965 : vector<16xi1> to vector<16xi32>
    %convert_element_type3A_967 = arith.sitofp %convert_element_type3A_966 : vector<16xi32> to vector<16xf32>
    %swap3A_968 = arith.constant 5 : i32
    %swap3A_969 = arith.index_cast %swap3A_968 : i32 to index
    %swap3A_970 = arith.index_cast %min3A_962 : i32 to index
    %swap3A_971 = tpu.vector_load %arg5[%swap3A_969, %swap3A_970] {strides = array<i32>} : memref<8x10002xf32, #tpu.memory_space<vmem>>, vector<16xf32>,
    tpu.vector_store %arg5[%swap3A_969, %swap3A_970], %convert_element_type3A_967 {strides = array<i32>} : memref<8x10002xf32, #tpu.memory_space<vmem>>, vector<16xf32>,
    %slice3A_972 = vector.extract_strided_slice %get3A_737 {offsets = [6], sizes = [1], strides = [1]} : vector<16xi32> to vector<1xi32>
    %squeeze3A_973 = vector.extract %slice3A_972[0] : i32 from vector<1xi32>
    %jit3A_974 = arith.constant 16 : i32
    %div3A_975 = arith.divsi %squeeze3A_973, %jit3A_974 : i32
    %sign3A_976 = arith.constant 0 : i32
    %sign3A_977 = arith.cmpi sgt, %squeeze3A_973, %sign3A_976 : i32
    %sign3A_978 = arith.extui %sign3A_977 : i1 to i32
    %sign3A_979 = arith.constant 0 : i32
    %sign3A_980 = arith.cmpi slt, %squeeze3A_973, %sign3A_979 : i32
    %sign3A_981 = arith.extui %sign3A_980 : i1 to i32
    %sign3A_982 = arith.subi %sign3A_978, %sign3A_981 : i32
    %sign3A_983 = arith.constant 0 : i32
    %sign3A_984 = arith.cmpi sgt, %jit3A_974, %sign3A_983 : i32
    %sign3A_985 = arith.extui %sign3A_984 : i1 to i32
    %sign3A_986 = arith.constant 0 : i32
    %sign3A_987 = arith.cmpi slt, %jit3A_974, %sign3A_986 : i32
    %sign3A_988 = arith.extui %sign3A_987 : i1 to i32
    %sign3A_989 = arith.subi %sign3A_985, %sign3A_988 : i32
    %ne3A_990 = arith.cmpi ne, %sign3A_982, %sign3A_989 : i32
    %rem3A_991 = arith.remsi %squeeze3A_973, %jit3A_974 : i32
    %ne3A_992 = arith.constant 0 : i32
    %ne3A_993 = arith.cmpi ne, %rem3A_991, %ne3A_992 : i32
    %and3A_994 = arith.andi %ne3A_990, %ne3A_993 : i1
    %sub3A_995 = arith.constant 1 : i32
    %sub3A_996 = arith.subi %div3A_975, %sub3A_995 : i32
    %select_n3A_997 = arith.select %and3A_994, %sub3A_996, %div3A_975 : i32
    %mul3A_998 = arith.constant 16 : i32
    %mul3A_999 = arith.muli %select_n3A_997, %mul3A_998 : i32
    %min3A_1000 = arith.constant 9986 : i32
    %min3A_1001 = arith.minsi %mul3A_999, %min3A_1000 : i32
    %sub3A_1002 = arith.subi %squeeze3A_973, %min3A_1001 : i32
    %eq3A_1003 = vector.broadcast %sub3A_1002 : i32 to vector<16xi32>
    %eq3A_1004 = arith.cmpi eq, %iota3A, %eq3A_1003 : vector<16xi32>
    %convert_element_type3A_1005 = arith.extui %eq3A_1004 : vector<16xi1> to vector<16xi32>
    %convert_element_type3A_1006 = arith.sitofp %convert_element_type3A_1005 : vector<16xi32> to vector<16xf32>
    %swap3A_1007 = arith.constant 6 : i32
    %swap3A_1008 = arith.index_cast %swap3A_1007 : i32 to index
    %swap3A_1009 = arith.index_cast %min3A_1001 : i32 to index
    %swap3A_1010 = tpu.vector_load %arg5[%swap3A_1008, %swap3A_1009] {strides = array<i32>} : memref<8x10002xf32, #tpu.memory_space<vmem>>, vector<16xf32>,
    tpu.vector_store %arg5[%swap3A_1008, %swap3A_1009], %convert_element_type3A_1006 {strides = array<i32>} : memref<8x10002xf32, #tpu.memory_space<vmem>>, vector<16xf32>,
    %slice3A_1011 = vector.extract_strided_slice %get3A_737 {offsets = [7], sizes = [1], strides = [1]} : vector<16xi32> to vector<1xi32>
    %squeeze3A_1012 = vector.extract %slice3A_1011[0] : i32 from vector<1xi32>
    %jit3A_1013 = arith.constant 16 : i32
    %div3A_1014 = arith.divsi %squeeze3A_1012, %jit3A_1013 : i32
    %sign3A_1015 = arith.constant 0 : i32
    %sign3A_1016 = arith.cmpi sgt, %squeeze3A_1012, %sign3A_1015 : i32
    %sign3A_1017 = arith.extui %sign3A_1016 : i1 to i32
    %sign3A_1018 = arith.constant 0 : i32
    %sign3A_1019 = arith.cmpi slt, %squeeze3A_1012, %sign3A_1018 : i32
    %sign3A_1020 = arith.extui %sign3A_1019 : i1 to i32
    %sign3A_1021 = arith.subi %sign3A_1017, %sign3A_1020 : i32
    %sign3A_1022 = arith.constant 0 : i32
    %sign3A_1023 = arith.cmpi sgt, %jit3A_1013, %sign3A_1022 : i32
    %sign3A_1024 = arith.extui %sign3A_1023 : i1 to i32
    %sign3A_1025 = arith.constant 0 : i32
    %sign3A_1026 = arith.cmpi slt, %jit3A_1013, %sign3A_1025 : i32
    %sign3A_1027 = arith.extui %sign3A_1026 : i1 to i32
    %sign3A_1028 = arith.subi %sign3A_1024, %sign3A_1027 : i32
    %ne3A_1029 = arith.cmpi ne, %sign3A_1021, %sign3A_1028 : i32
    %rem3A_1030 = arith.remsi %squeeze3A_1012, %jit3A_1013 : i32
    %ne3A_1031 = arith.constant 0 : i32
    %ne3A_1032 = arith.cmpi ne, %rem3A_1030, %ne3A_1031 : i32
    %and3A_1033 = arith.andi %ne3A_1029, %ne3A_1032 : i1
    %sub3A_1034 = arith.constant 1 : i32
    %sub3A_1035 = arith.subi %div3A_1014, %sub3A_1034 : i32
    %select_n3A_1036 = arith.select %and3A_1033, %sub3A_1035, %div3A_1014 : i32
    %mul3A_1037 = arith.constant 16 : i32
    %mul3A_1038 = arith.muli %select_n3A_1036, %mul3A_1037 : i32
    %min3A_1039 = arith.constant 9986 : i32
    %min3A_1040 = arith.minsi %mul3A_1038, %min3A_1039 : i32
    %sub3A_1041 = arith.subi %squeeze3A_1012, %min3A_1040 : i32
    %eq3A_1042 = vector.broadcast %sub3A_1041 : i32 to vector<16xi32>
    %eq3A_1043 = arith.cmpi eq, %iota3A, %eq3A_1042 : vector<16xi32>
    %convert_element_type3A_1044 = arith.extui %eq3A_1043 : vector<16xi1> to vector<16xi32>
    %convert_element_type3A_1045 = arith.sitofp %convert_element_type3A_1044 : vector<16xi32> to vector<16xf32>
    %swap3A_1046 = arith.constant 7 : i32
    %swap3A_1047 = arith.index_cast %swap3A_1046 : i32 to index
    %swap3A_1048 = arith.index_cast %min3A_1040 : i32 to index
    %swap3A_1049 = tpu.vector_load %arg5[%swap3A_1047, %swap3A_1048] {strides = array<i32>} : memref<8x10002xf32, #tpu.memory_space<vmem>>, vector<16xf32>,
    tpu.vector_store %arg5[%swap3A_1047, %swap3A_1048], %convert_element_type3A_1045 {strides = array<i32>} : memref<8x10002xf32, #tpu.memory_space<vmem>>, vector<16xf32>,
    %add3A_1050 = arith.constant 16 : i32
    %add3A_1051 = arith.addi %mul3A_2, %add3A_1050 : i32
    %multiple_of3A_1052 = tpu.assume_multiple %add3A_1051, 8 : i32
    %dma_start3A_1053 = arith.constant 0 : i32
    %dma_start3A_1054 = tpu.memref_slice %arg3[%multiple_of3A_1052, %dma_start3A_1053] : memref<1024x10002xf32, #tpu.memory_space<hbm>> -> memref<8x10002xf32, #tpu.memory_space<hbm>>
    %dma_start3A_1055 = arith.constant 0 : i32
    %dma_start3A_1056 = tpu.memref_slice %arg3[%multiple_of3A_1052, %dma_start3A_1055] : memref<1024x10002xf32, #tpu.memory_space<hbm>> -> memref<8x10002xf32, #tpu.memory_space<hbm>>
    tpu.enqueue_dma source(%arg5 : memref<8x10002xf32, #tpu.memory_space<vmem>>) target(%dma_start3A_1056 : memref<8x10002xf32, #tpu.memory_space<hbm>>) target_semaphore(%arg6 : memref<!tpu.dma_semaphore, #tpu.memory_space<semaphore_mem>>)
    %dma_wait3A_1057 = arith.constant 0 : i32
    %dma_wait3A_1058 = tpu.memref_slice %arg3[%multiple_of3A_1052, %dma_wait3A_1057] : memref<1024x10002xf32, #tpu.memory_space<hbm>> -> memref<8x10002xf32, #tpu.memory_space<hbm>>
    %dma_wait3A_1059 = arith.constant 0 : i32
    %dma_wait3A_1060 = tpu.memref_slice %arg3[%multiple_of3A_1052, %dma_wait3A_1059] : memref<1024x10002xf32, #tpu.memory_space<hbm>> -> memref<8x10002xf32, #tpu.memory_space<hbm>>
    tpu.wait_dma2 semaphore(%arg6 : memref<!tpu.dma_semaphore, #tpu.memory_space<semaphore_mem>>) src(%arg5 : memref<8x10002xf32, #tpu.memory_space<vmem>>) dst(%dma_wait3A_1060 : memref<8x10002xf32, #tpu.memory_space<hbm>>)
    %swap3A_1061 = arith.constant 0 : i32
    %swap3A_1062 = arith.index_cast %swap3A_1061 : i32 to index
    %swap3A_1063 = arith.index_cast %min3A_767 : i32 to index
    %swap3A_1064 = tpu.vector_load %arg5[%swap3A_1062, %swap3A_1063] {strides = array<i32>} : memref<8x10002xf32, #tpu.memory_space<vmem>>, vector<16xf32>,
    tpu.vector_store %arg5[%swap3A_1062, %swap3A_1063], %broadcast_in_dim3A_3 {strides = array<i32>} : memref<8x10002xf32, #tpu.memory_space<vmem>>, vector<16xf32>,
    %swap3A_1065 = arith.constant 1 : i32
    %swap3A_1066 = arith.index_cast %swap3A_1065 : i32 to index
    %swap3A_1067 = arith.index_cast %min3A_806 : i32 to index
    %swap3A_1068 = tpu.vector_load %arg5[%swap3A_1066, %swap3A_1067] {strides = array<i32>} : memref<8x10002xf32, #tpu.memory_space<vmem>>, vector<16xf32>,
    tpu.vector_store %arg5[%swap3A_1066, %swap3A_1067], %broadcast_in_dim3A_3 {strides = array<i32>} : memref<8x10002xf32, #tpu.memory_space<vmem>>, vector<16xf32>,
    %swap3A_1069 = arith.constant 2 : i32
    %swap3A_1070 = arith.index_cast %swap3A_1069 : i32 to index
    %swap3A_1071 = arith.index_cast %min3A_845 : i32 to index
    %swap3A_1072 = tpu.vector_load %arg5[%swap3A_1070, %swap3A_1071] {strides = array<i32>} : memref<8x10002xf32, #tpu.memory_space<vmem>>, vector<16xf32>,
    tpu.vector_store %arg5[%swap3A_1070, %swap3A_1071], %broadcast_in_dim3A_3 {strides = array<i32>} : memref<8x10002xf32, #tpu.memory_space<vmem>>, vector<16xf32>,
    %swap3A_1073 = arith.constant 3 : i32
    %swap3A_1074 = arith.index_cast %swap3A_1073 : i32 to index
    %swap3A_1075 = arith.index_cast %min3A_884 : i32 to index
    %swap3A_1076 = tpu.vector_load %arg5[%swap3A_1074, %swap3A_1075] {strides = array<i32>} : memref<8x10002xf32, #tpu.memory_space<vmem>>, vector<16xf32>,
    tpu.vector_store %arg5[%swap3A_1074, %swap3A_1075], %broadcast_in_dim3A_3 {strides = array<i32>} : memref<8x10002xf32, #tpu.memory_space<vmem>>, vector<16xf32>,
    %swap3A_1077 = arith.constant 4 : i32
    %swap3A_1078 = arith.index_cast %swap3A_1077 : i32 to index
    %swap3A_1079 = arith.index_cast %min3A_923 : i32 to index
    %swap3A_1080 = tpu.vector_load %arg5[%swap3A_1078, %swap3A_1079] {strides = array<i32>} : memref<8x10002xf32, #tpu.memory_space<vmem>>, vector<16xf32>,
    tpu.vector_store %arg5[%swap3A_1078, %swap3A_1079], %broadcast_in_dim3A_3 {strides = array<i32>} : memref<8x10002xf32, #tpu.memory_space<vmem>>, vector<16xf32>,
    %swap3A_1081 = arith.constant 5 : i32
    %swap3A_1082 = arith.index_cast %swap3A_1081 : i32 to index
    %swap3A_1083 = arith.index_cast %min3A_962 : i32 to index
    %swap3A_1084 = tpu.vector_load %arg5[%swap3A_1082, %swap3A_1083] {strides = array<i32>} : memref<8x10002xf32, #tpu.memory_space<vmem>>, vector<16xf32>,
    tpu.vector_store %arg5[%swap3A_1082, %swap3A_1083], %broadcast_in_dim3A_3 {strides = array<i32>} : memref<8x10002xf32, #tpu.memory_space<vmem>>, vector<16xf32>,
    %swap3A_1085 = arith.constant 6 : i32
    %swap3A_1086 = arith.index_cast %swap3A_1085 : i32 to index
    %swap3A_1087 = arith.index_cast %min3A_1001 : i32 to index
    %swap3A_1088 = tpu.vector_load %arg5[%swap3A_1086, %swap3A_1087] {strides = array<i32>} : memref<8x10002xf32, #tpu.memory_space<vmem>>, vector<16xf32>,
    tpu.vector_store %arg5[%swap3A_1086, %swap3A_1087], %broadcast_in_dim3A_3 {strides = array<i32>} : memref<8x10002xf32, #tpu.memory_space<vmem>>, vector<16xf32>,
    %swap3A_1089 = arith.constant 7 : i32
    %swap3A_1090 = arith.index_cast %swap3A_1089 : i32 to index
    %swap3A_1091 = arith.index_cast %min3A_1040 : i32 to index
    %swap3A_1092 = tpu.vector_load %arg5[%swap3A_1090, %swap3A_1091] {strides = array<i32>} : memref<8x10002xf32, #tpu.memory_space<vmem>>, vector<16xf32>,
    tpu.vector_store %arg5[%swap3A_1090, %swap3A_1091], %broadcast_in_dim3A_3 {strides = array<i32>} : memref<8x10002xf32, #tpu.memory_space<vmem>>, vector<16xf32>,
    %get3A_1093 = arith.constant 16 : index
    %get3A_1094 = tpu.vector_load %arg4[%get3A_1093] {strides = array<i32>} : memref<32xi32, #tpu.memory_space<vmem>>, vector<16xi32>,
    %slice3A_1095 = vector.extract_strided_slice %get3A_1094 {offsets = [8], sizes = [1], strides = [1]} : vector<16xi32> to vector<1xi32>
    %squeeze3A_1096 = vector.extract %slice3A_1095[0] : i32 from vector<1xi32>
    %jit3A_1097 = arith.constant 16 : i32
    %div3A_1098 = arith.divsi %squeeze3A_1096, %jit3A_1097 : i32
    %sign3A_1099 = arith.constant 0 : i32
    %sign3A_1100 = arith.cmpi sgt, %squeeze3A_1096, %sign3A_1099 : i32
    %sign3A_1101 = arith.extui %sign3A_1100 : i1 to i32
    %sign3A_1102 = arith.constant 0 : i32
    %sign3A_1103 = arith.cmpi slt, %squeeze3A_1096, %sign3A_1102 : i32
    %sign3A_1104 = arith.extui %sign3A_1103 : i1 to i32
    %sign3A_1105 = arith.subi %sign3A_1101, %sign3A_1104 : i32
    %sign3A_1106 = arith.constant 0 : i32
    %sign3A_1107 = arith.cmpi sgt, %jit3A_1097, %sign3A_1106 : i32
    %sign3A_1108 = arith.extui %sign3A_1107 : i1 to i32
    %sign3A_1109 = arith.constant 0 : i32
    %sign3A_1110 = arith.cmpi slt, %jit3A_1097, %sign3A_1109 : i32
    %sign3A_1111 = arith.extui %sign3A_1110 : i1 to i32
    %sign3A_1112 = arith.subi %sign3A_1108, %sign3A_1111 : i32
    %ne3A_1113 = arith.cmpi ne, %sign3A_1105, %sign3A_1112 : i32
    %rem3A_1114 = arith.remsi %squeeze3A_1096, %jit3A_1097 : i32
    %ne3A_1115 = arith.constant 0 : i32
    %ne3A_1116 = arith.cmpi ne, %rem3A_1114, %ne3A_1115 : i32
    %and3A_1117 = arith.andi %ne3A_1113, %ne3A_1116 : i1
    %sub3A_1118 = arith.constant 1 : i32
    %sub3A_1119 = arith.subi %div3A_1098, %sub3A_1118 : i32
    %select_n3A_1120 = arith.select %and3A_1117, %sub3A_1119, %div3A_1098 : i32
    %mul3A_1121 = arith.constant 16 : i32
    %mul3A_1122 = arith.muli %select_n3A_1120, %mul3A_1121 : i32
    %min3A_1123 = arith.constant 9986 : i32
    %min3A_1124 = arith.minsi %mul3A_1122, %min3A_1123 : i32
    %sub3A_1125 = arith.subi %squeeze3A_1096, %min3A_1124 : i32
    %eq3A_1126 = vector.broadcast %sub3A_1125 : i32 to vector<16xi32>
    %eq3A_1127 = arith.cmpi eq, %iota3A, %eq3A_1126 : vector<16xi32>
    %convert_element_type3A_1128 = arith.extui %eq3A_1127 : vector<16xi1> to vector<16xi32>
    %convert_element_type3A_1129 = arith.sitofp %convert_element_type3A_1128 : vector<16xi32> to vector<16xf32>
    %swap3A_1130 = arith.constant 0 : i32
    %swap3A_1131 = arith.index_cast %swap3A_1130 : i32 to index
    %swap3A_1132 = arith.index_cast %min3A_1124 : i32 to index
    %swap3A_1133 = tpu.vector_load %arg5[%swap3A_1131, %swap3A_1132] {strides = array<i32>} : memref<8x10002xf32, #tpu.memory_space<vmem>>, vector<16xf32>,
    tpu.vector_store %arg5[%swap3A_1131, %swap3A_1132], %convert_element_type3A_1129 {strides = array<i32>} : memref<8x10002xf32, #tpu.memory_space<vmem>>, vector<16xf32>,
    %slice3A_1134 = vector.extract_strided_slice %get3A_1094 {offsets = [9], sizes = [1], strides = [1]} : vector<16xi32> to vector<1xi32>
    %squeeze3A_1135 = vector.extract %slice3A_1134[0] : i32 from vector<1xi32>
    %jit3A_1136 = arith.constant 16 : i32
    %div3A_1137 = arith.divsi %squeeze3A_1135, %jit3A_1136 : i32
    %sign3A_1138 = arith.constant 0 : i32
    %sign3A_1139 = arith.cmpi sgt, %squeeze3A_1135, %sign3A_1138 : i32
    %sign3A_1140 = arith.extui %sign3A_1139 : i1 to i32
    %sign3A_1141 = arith.constant 0 : i32
    %sign3A_1142 = arith.cmpi slt, %squeeze3A_1135, %sign3A_1141 : i32
    %sign3A_1143 = arith.extui %sign3A_1142 : i1 to i32
    %sign3A_1144 = arith.subi %sign3A_1140, %sign3A_1143 : i32
    %sign3A_1145 = arith.constant 0 : i32
    %sign3A_1146 = arith.cmpi sgt, %jit3A_1136, %sign3A_1145 : i32
    %sign3A_1147 = arith.extui %sign3A_1146 : i1 to i32
    %sign3A_1148 = arith.constant 0 : i32
    %sign3A_1149 = arith.cmpi slt, %jit3A_1136, %sign3A_1148 : i32
    %sign3A_1150 = arith.extui %sign3A_1149 : i1 to i32
    %sign3A_1151 = arith.subi %sign3A_1147, %sign3A_1150 : i32
    %ne3A_1152 = arith.cmpi ne, %sign3A_1144, %sign3A_1151 : i32
    %rem3A_1153 = arith.remsi %squeeze3A_1135, %jit3A_1136 : i32
    %ne3A_1154 = arith.constant 0 : i32
    %ne3A_1155 = arith.cmpi ne, %rem3A_1153, %ne3A_1154 : i32
    %and3A_1156 = arith.andi %ne3A_1152, %ne3A_1155 : i1
    %sub3A_1157 = arith.constant 1 : i32
    %sub3A_1158 = arith.subi %div3A_1137, %sub3A_1157 : i32
    %select_n3A_1159 = arith.select %and3A_1156, %sub3A_1158, %div3A_1137 : i32
    %mul3A_1160 = arith.constant 16 : i32
    %mul3A_1161 = arith.muli %select_n3A_1159, %mul3A_1160 : i32
    %min3A_1162 = arith.constant 9986 : i32
    %min3A_1163 = arith.minsi %mul3A_1161, %min3A_1162 : i32
    %sub3A_1164 = arith.subi %squeeze3A_1135, %min3A_1163 : i32
    %eq3A_1165 = vector.broadcast %sub3A_1164 : i32 to vector<16xi32>
    %eq3A_1166 = arith.cmpi eq, %iota3A, %eq3A_1165 : vector<16xi32>
    %convert_element_type3A_1167 = arith.extui %eq3A_1166 : vector<16xi1> to vector<16xi32>
    %convert_element_type3A_1168 = arith.sitofp %convert_element_type3A_1167 : vector<16xi32> to vector<16xf32>
    %swap3A_1169 = arith.constant 1 : i32
    %swap3A_1170 = arith.index_cast %swap3A_1169 : i32 to index
    %swap3A_1171 = arith.index_cast %min3A_1163 : i32 to index
    %swap3A_1172 = tpu.vector_load %arg5[%swap3A_1170, %swap3A_1171] {strides = array<i32>} : memref<8x10002xf32, #tpu.memory_space<vmem>>, vector<16xf32>,
    tpu.vector_store %arg5[%swap3A_1170, %swap3A_1171], %convert_element_type3A_1168 {strides = array<i32>} : memref<8x10002xf32, #tpu.memory_space<vmem>>, vector<16xf32>,
    %slice3A_1173 = vector.extract_strided_slice %get3A_1094 {offsets = [10], sizes = [1], strides = [1]} : vector<16xi32> to vector<1xi32>
    %squeeze3A_1174 = vector.extract %slice3A_1173[0] : i32 from vector<1xi32>
    %jit3A_1175 = arith.constant 16 : i32
    %div3A_1176 = arith.divsi %squeeze3A_1174, %jit3A_1175 : i32
    %sign3A_1177 = arith.constant 0 : i32
    %sign3A_1178 = arith.cmpi sgt, %squeeze3A_1174, %sign3A_1177 : i32
    %sign3A_1179 = arith.extui %sign3A_1178 : i1 to i32
    %sign3A_1180 = arith.constant 0 : i32
    %sign3A_1181 = arith.cmpi slt, %squeeze3A_1174, %sign3A_1180 : i32
    %sign3A_1182 = arith.extui %sign3A_1181 : i1 to i32
    %sign3A_1183 = arith.subi %sign3A_1179, %sign3A_1182 : i32
    %sign3A_1184 = arith.constant 0 : i32
    %sign3A_1185 = arith.cmpi sgt, %jit3A_1175, %sign3A_1184 : i32
    %sign3A_1186 = arith.extui %sign3A_1185 : i1 to i32
    %sign3A_1187 = arith.constant 0 : i32
    %sign3A_1188 = arith.cmpi slt, %jit3A_1175, %sign3A_1187 : i32
    %sign3A_1189 = arith.extui %sign3A_1188 : i1 to i32
    %sign3A_1190 = arith.subi %sign3A_1186, %sign3A_1189 : i32
    %ne3A_1191 = arith.cmpi ne, %sign3A_1183, %sign3A_1190 : i32
    %rem3A_1192 = arith.remsi %squeeze3A_1174, %jit3A_1175 : i32
    %ne3A_1193 = arith.constant 0 : i32
    %ne3A_1194 = arith.cmpi ne, %rem3A_1192, %ne3A_1193 : i32
    %and3A_1195 = arith.andi %ne3A_1191, %ne3A_1194 : i1
    %sub3A_1196 = arith.constant 1 : i32
    %sub3A_1197 = arith.subi %div3A_1176, %sub3A_1196 : i32
    %select_n3A_1198 = arith.select %and3A_1195, %sub3A_1197, %div3A_1176 : i32
    %mul3A_1199 = arith.constant 16 : i32
    %mul3A_1200 = arith.muli %select_n3A_1198, %mul3A_1199 : i32
    %min3A_1201 = arith.constant 9986 : i32
    %min3A_1202 = arith.minsi %mul3A_1200, %min3A_1201 : i32
    %sub3A_1203 = arith.subi %squeeze3A_1174, %min3A_1202 : i32
    %eq3A_1204 = vector.broadcast %sub3A_1203 : i32 to vector<16xi32>
    %eq3A_1205 = arith.cmpi eq, %iota3A, %eq3A_1204 : vector<16xi32>
    %convert_element_type3A_1206 = arith.extui %eq3A_1205 : vector<16xi1> to vector<16xi32>
    %convert_element_type3A_1207 = arith.sitofp %convert_element_type3A_1206 : vector<16xi32> to vector<16xf32>
    %swap3A_1208 = arith.constant 2 : i32
    %swap3A_1209 = arith.index_cast %swap3A_1208 : i32 to index
    %swap3A_1210 = arith.index_cast %min3A_1202 : i32 to index
    %swap3A_1211 = tpu.vector_load %arg5[%swap3A_1209, %swap3A_1210] {strides = array<i32>} : memref<8x10002xf32, #tpu.memory_space<vmem>>, vector<16xf32>,
    tpu.vector_store %arg5[%swap3A_1209, %swap3A_1210], %convert_element_type3A_1207 {strides = array<i32>} : memref<8x10002xf32, #tpu.memory_space<vmem>>, vector<16xf32>,
    %slice3A_1212 = vector.extract_strided_slice %get3A_1094 {offsets = [11], sizes = [1], strides = [1]} : vector<16xi32> to vector<1xi32>
    %squeeze3A_1213 = vector.extract %slice3A_1212[0] : i32 from vector<1xi32>
    %jit3A_1214 = arith.constant 16 : i32
    %div3A_1215 = arith.divsi %squeeze3A_1213, %jit3A_1214 : i32
    %sign3A_1216 = arith.constant 0 : i32
    %sign3A_1217 = arith.cmpi sgt, %squeeze3A_1213, %sign3A_1216 : i32
    %sign3A_1218 = arith.extui %sign3A_1217 : i1 to i32
    %sign3A_1219 = arith.constant 0 : i32
    %sign3A_1220 = arith.cmpi slt, %squeeze3A_1213, %sign3A_1219 : i32
    %sign3A_1221 = arith.extui %sign3A_1220 : i1 to i32
    %sign3A_1222 = arith.subi %sign3A_1218, %sign3A_1221 : i32
    %sign3A_1223 = arith.constant 0 : i32
    %sign3A_1224 = arith.cmpi sgt, %jit3A_1214, %sign3A_1223 : i32
    %sign3A_1225 = arith.extui %sign3A_1224 : i1 to i32
    %sign3A_1226 = arith.constant 0 : i32
    %sign3A_1227 = arith.cmpi slt, %jit3A_1214, %sign3A_1226 : i32
    %sign3A_1228 = arith.extui %sign3A_1227 : i1 to i32
    %sign3A_1229 = arith.subi %sign3A_1225, %sign3A_1228 : i32
    %ne3A_1230 = arith.cmpi ne, %sign3A_1222, %sign3A_1229 : i32
    %rem3A_1231 = arith.remsi %squeeze3A_1213, %jit3A_1214 : i32
    %ne3A_1232 = arith.constant 0 : i32
    %ne3A_1233 = arith.cmpi ne, %rem3A_1231, %ne3A_1232 : i32
    %and3A_1234 = arith.andi %ne3A_1230, %ne3A_1233 : i1
    %sub3A_1235 = arith.constant 1 : i32
    %sub3A_1236 = arith.subi %div3A_1215, %sub3A_1235 : i32
    %select_n3A_1237 = arith.select %and3A_1234, %sub3A_1236, %div3A_1215 : i32
    %mul3A_1238 = arith.constant 16 : i32
    %mul3A_1239 = arith.muli %select_n3A_1237, %mul3A_1238 : i32
    %min3A_1240 = arith.constant 9986 : i32
    %min3A_1241 = arith.minsi %mul3A_1239, %min3A_1240 : i32
    %sub3A_1242 = arith.subi %squeeze3A_1213, %min3A_1241 : i32
    %eq3A_1243 = vector.broadcast %sub3A_1242 : i32 to vector<16xi32>
    %eq3A_1244 = arith.cmpi eq, %iota3A, %eq3A_1243 : vector<16xi32>
    %convert_element_type3A_1245 = arith.extui %eq3A_1244 : vector<16xi1> to vector<16xi32>
    %convert_element_type3A_1246 = arith.sitofp %convert_element_type3A_1245 : vector<16xi32> to vector<16xf32>
    %swap3A_1247 = arith.constant 3 : i32
    %swap3A_1248 = arith.index_cast %swap3A_1247 : i32 to index
    %swap3A_1249 = arith.index_cast %min3A_1241 : i32 to index
    %swap3A_1250 = tpu.vector_load %arg5[%swap3A_1248, %swap3A_1249] {strides = array<i32>} : memref<8x10002xf32, #tpu.memory_space<vmem>>, vector<16xf32>,
    tpu.vector_store %arg5[%swap3A_1248, %swap3A_1249], %convert_element_type3A_1246 {strides = array<i32>} : memref<8x10002xf32, #tpu.memory_space<vmem>>, vector<16xf32>,
    %slice3A_1251 = vector.extract_strided_slice %get3A_1094 {offsets = [12], sizes = [1], strides = [1]} : vector<16xi32> to vector<1xi32>
    %squeeze3A_1252 = vector.extract %slice3A_1251[0] : i32 from vector<1xi32>
    %jit3A_1253 = arith.constant 16 : i32
    %div3A_1254 = arith.divsi %squeeze3A_1252, %jit3A_1253 : i32
    %sign3A_1255 = arith.constant 0 : i32
    %sign3A_1256 = arith.cmpi sgt, %squeeze3A_1252, %sign3A_1255 : i32
    %sign3A_1257 = arith.extui %sign3A_1256 : i1 to i32
    %sign3A_1258 = arith.constant 0 : i32
    %sign3A_1259 = arith.cmpi slt, %squeeze3A_1252, %sign3A_1258 : i32
    %sign3A_1260 = arith.extui %sign3A_1259 : i1 to i32
    %sign3A_1261 = arith.subi %sign3A_1257, %sign3A_1260 : i32
    %sign3A_1262 = arith.constant 0 : i32
    %sign3A_1263 = arith.cmpi sgt, %jit3A_1253, %sign3A_1262 : i32
    %sign3A_1264 = arith.extui %sign3A_1263 : i1 to i32
    %sign3A_1265 = arith.constant 0 : i32
    %sign3A_1266 = arith.cmpi slt, %jit3A_1253, %sign3A_1265 : i32
    %sign3A_1267 = arith.extui %sign3A_1266 : i1 to i32
    %sign3A_1268 = arith.subi %sign3A_1264, %sign3A_1267 : i32
    %ne3A_1269 = arith.cmpi ne, %sign3A_1261, %sign3A_1268 : i32
    %rem3A_1270 = arith.remsi %squeeze3A_1252, %jit3A_1253 : i32
    %ne3A_1271 = arith.constant 0 : i32
    %ne3A_1272 = arith.cmpi ne, %rem3A_1270, %ne3A_1271 : i32
    %and3A_1273 = arith.andi %ne3A_1269, %ne3A_1272 : i1
    %sub3A_1274 = arith.constant 1 : i32
    %sub3A_1275 = arith.subi %div3A_1254, %sub3A_1274 : i32
    %select_n3A_1276 = arith.select %and3A_1273, %sub3A_1275, %div3A_1254 : i32
    %mul3A_1277 = arith.constant 16 : i32
    %mul3A_1278 = arith.muli %select_n3A_1276, %mul3A_1277 : i32
    %min3A_1279 = arith.constant 9986 : i32
    %min3A_1280 = arith.minsi %mul3A_1278, %min3A_1279 : i32
    %sub3A_1281 = arith.subi %squeeze3A_1252, %min3A_1280 : i32
    %eq3A_1282 = vector.broadcast %sub3A_1281 : i32 to vector<16xi32>
    %eq3A_1283 = arith.cmpi eq, %iota3A, %eq3A_1282 : vector<16xi32>
    %convert_element_type3A_1284 = arith.extui %eq3A_1283 : vector<16xi1> to vector<16xi32>
    %convert_element_type3A_1285 = arith.sitofp %convert_element_type3A_1284 : vector<16xi32> to vector<16xf32>
    %swap3A_1286 = arith.constant 4 : i32
    %swap3A_1287 = arith.index_cast %swap3A_1286 : i32 to index
    %swap3A_1288 = arith.index_cast %min3A_1280 : i32 to index
    %swap3A_1289 = tpu.vector_load %arg5[%swap3A_1287, %swap3A_1288] {strides = array<i32>} : memref<8x10002xf32, #tpu.memory_space<vmem>>, vector<16xf32>,
    tpu.vector_store %arg5[%swap3A_1287, %swap3A_1288], %convert_element_type3A_1285 {strides = array<i32>} : memref<8x10002xf32, #tpu.memory_space<vmem>>, vector<16xf32>,
    %slice3A_1290 = vector.extract_strided_slice %get3A_1094 {offsets = [13], sizes = [1], strides = [1]} : vector<16xi32> to vector<1xi32>
    %squeeze3A_1291 = vector.extract %slice3A_1290[0] : i32 from vector<1xi32>
    %jit3A_1292 = arith.constant 16 : i32
    %div3A_1293 = arith.divsi %squeeze3A_1291, %jit3A_1292 : i32
    %sign3A_1294 = arith.constant 0 : i32
    %sign3A_1295 = arith.cmpi sgt, %squeeze3A_1291, %sign3A_1294 : i32
    %sign3A_1296 = arith.extui %sign3A_1295 : i1 to i32
    %sign3A_1297 = arith.constant 0 : i32
    %sign3A_1298 = arith.cmpi slt, %squeeze3A_1291, %sign3A_1297 : i32
    %sign3A_1299 = arith.extui %sign3A_1298 : i1 to i32
    %sign3A_1300 = arith.subi %sign3A_1296, %sign3A_1299 : i32
    %sign3A_1301 = arith.constant 0 : i32
    %sign3A_1302 = arith.cmpi sgt, %jit3A_1292, %sign3A_1301 : i32
    %sign3A_1303 = arith.extui %sign3A_1302 : i1 to i32
    %sign3A_1304 = arith.constant 0 : i32
    %sign3A_1305 = arith.cmpi slt, %jit3A_1292, %sign3A_1304 : i32
    %sign3A_1306 = arith.extui %sign3A_1305 : i1 to i32
    %sign3A_1307 = arith.subi %sign3A_1303, %sign3A_1306 : i32
    %ne3A_1308 = arith.cmpi ne, %sign3A_1300, %sign3A_1307 : i32
    %rem3A_1309 = arith.remsi %squeeze3A_1291, %jit3A_1292 : i32
    %ne3A_1310 = arith.constant 0 : i32
    %ne3A_1311 = arith.cmpi ne, %rem3A_1309, %ne3A_1310 : i32
    %and3A_1312 = arith.andi %ne3A_1308, %ne3A_1311 : i1
    %sub3A_1313 = arith.constant 1 : i32
    %sub3A_1314 = arith.subi %div3A_1293, %sub3A_1313 : i32
    %select_n3A_1315 = arith.select %and3A_1312, %sub3A_1314, %div3A_1293 : i32
    %mul3A_1316 = arith.constant 16 : i32
    %mul3A_1317 = arith.muli %select_n3A_1315, %mul3A_1316 : i32
    %min3A_1318 = arith.constant 9986 : i32
    %min3A_1319 = arith.minsi %mul3A_1317, %min3A_1318 : i32
    %sub3A_1320 = arith.subi %squeeze3A_1291, %min3A_1319 : i32
    %eq3A_1321 = vector.broadcast %sub3A_1320 : i32 to vector<16xi32>
    %eq3A_1322 = arith.cmpi eq, %iota3A, %eq3A_1321 : vector<16xi32>
    %convert_element_type3A_1323 = arith.extui %eq3A_1322 : vector<16xi1> to vector<16xi32>
    %convert_element_type3A_1324 = arith.sitofp %convert_element_type3A_1323 : vector<16xi32> to vector<16xf32>
    %swap3A_1325 = arith.constant 5 : i32
    %swap3A_1326 = arith.index_cast %swap3A_1325 : i32 to index
    %swap3A_1327 = arith.index_cast %min3A_1319 : i32 to index
    %swap3A_1328 = tpu.vector_load %arg5[%swap3A_1326, %swap3A_1327] {strides = array<i32>} : memref<8x10002xf32, #tpu.memory_space<vmem>>, vector<16xf32>,
    tpu.vector_store %arg5[%swap3A_1326, %swap3A_1327], %convert_element_type3A_1324 {strides = array<i32>} : memref<8x10002xf32, #tpu.memory_space<vmem>>, vector<16xf32>,
    %slice3A_1329 = vector.extract_strided_slice %get3A_1094 {offsets = [14], sizes = [1], strides = [1]} : vector<16xi32> to vector<1xi32>
    %squeeze3A_1330 = vector.extract %slice3A_1329[0] : i32 from vector<1xi32>
    %jit3A_1331 = arith.constant 16 : i32
    %div3A_1332 = arith.divsi %squeeze3A_1330, %jit3A_1331 : i32
    %sign3A_1333 = arith.constant 0 : i32
    %sign3A_1334 = arith.cmpi sgt, %squeeze3A_1330, %sign3A_1333 : i32
    %sign3A_1335 = arith.extui %sign3A_1334 : i1 to i32
    %sign3A_1336 = arith.constant 0 : i32
    %sign3A_1337 = arith.cmpi slt, %squeeze3A_1330, %sign3A_1336 : i32
    %sign3A_1338 = arith.extui %sign3A_1337 : i1 to i32
    %sign3A_1339 = arith.subi %sign3A_1335, %sign3A_1338 : i32
    %sign3A_1340 = arith.constant 0 : i32
    %sign3A_1341 = arith.cmpi sgt, %jit3A_1331, %sign3A_1340 : i32
    %sign3A_1342 = arith.extui %sign3A_1341 : i1 to i32
    %sign3A_1343 = arith.constant 0 : i32
    %sign3A_1344 = arith.cmpi slt, %jit3A_1331, %sign3A_1343 : i32
    %sign3A_1345 = arith.extui %sign3A_1344 : i1 to i32
    %sign3A_1346 = arith.subi %sign3A_1342, %sign3A_1345 : i32
    %ne3A_1347 = arith.cmpi ne, %sign3A_1339, %sign3A_1346 : i32
    %rem3A_1348 = arith.remsi %squeeze3A_1330, %jit3A_1331 : i32
    %ne3A_1349 = arith.constant 0 : i32
    %ne3A_1350 = arith.cmpi ne, %rem3A_1348, %ne3A_1349 : i32
    %and3A_1351 = arith.andi %ne3A_1347, %ne3A_1350 : i1
    %sub3A_1352 = arith.constant 1 : i32
    %sub3A_1353 = arith.subi %div3A_1332, %sub3A_1352 : i32
    %select_n3A_1354 = arith.select %and3A_1351, %sub3A_1353, %div3A_1332 : i32
    %mul3A_1355 = arith.constant 16 : i32
    %mul3A_1356 = arith.muli %select_n3A_1354, %mul3A_1355 : i32
    %min3A_1357 = arith.constant 9986 : i32
    %min3A_1358 = arith.minsi %mul3A_1356, %min3A_1357 : i32
    %sub3A_1359 = arith.subi %squeeze3A_1330, %min3A_1358 : i32
    %eq3A_1360 = vector.broadcast %sub3A_1359 : i32 to vector<16xi32>
    %eq3A_1361 = arith.cmpi eq, %iota3A, %eq3A_1360 : vector<16xi32>
    %convert_element_type3A_1362 = arith.extui %eq3A_1361 : vector<16xi1> to vector<16xi32>
    %convert_element_type3A_1363 = arith.sitofp %convert_element_type3A_1362 : vector<16xi32> to vector<16xf32>
    %swap3A_1364 = arith.constant 6 : i32
    %swap3A_1365 = arith.index_cast %swap3A_1364 : i32 to index
    %swap3A_1366 = arith.index_cast %min3A_1358 : i32 to index
    %swap3A_1367 = tpu.vector_load %arg5[%swap3A_1365, %swap3A_1366] {strides = array<i32>} : memref<8x10002xf32, #tpu.memory_space<vmem>>, vector<16xf32>,
    tpu.vector_store %arg5[%swap3A_1365, %swap3A_1366], %convert_element_type3A_1363 {strides = array<i32>} : memref<8x10002xf32, #tpu.memory_space<vmem>>, vector<16xf32>,
    %slice3A_1368 = vector.extract_strided_slice %get3A_1094 {offsets = [15], sizes = [1], strides = [1]} : vector<16xi32> to vector<1xi32>
    %squeeze3A_1369 = vector.extract %slice3A_1368[0] : i32 from vector<1xi32>
    %jit3A_1370 = arith.constant 16 : i32
    %div3A_1371 = arith.divsi %squeeze3A_1369, %jit3A_1370 : i32
    %sign3A_1372 = arith.constant 0 : i32
    %sign3A_1373 = arith.cmpi sgt, %squeeze3A_1369, %sign3A_1372 : i32
    %sign3A_1374 = arith.extui %sign3A_1373 : i1 to i32
    %sign3A_1375 = arith.constant 0 : i32
    %sign3A_1376 = arith.cmpi slt, %squeeze3A_1369, %sign3A_1375 : i32
    %sign3A_1377 = arith.extui %sign3A_1376 : i1 to i32
    %sign3A_1378 = arith.subi %sign3A_1374, %sign3A_1377 : i32
    %sign3A_1379 = arith.constant 0 : i32
    %sign3A_1380 = arith.cmpi sgt, %jit3A_1370, %sign3A_1379 : i32
    %sign3A_1381 = arith.extui %sign3A_1380 : i1 to i32
    %sign3A_1382 = arith.constant 0 : i32
    %sign3A_1383 = arith.cmpi slt, %jit3A_1370, %sign3A_1382 : i32
    %sign3A_1384 = arith.extui %sign3A_1383 : i1 to i32
    %sign3A_1385 = arith.subi %sign3A_1381, %sign3A_1384 : i32
    %ne3A_1386 = arith.cmpi ne, %sign3A_1378, %sign3A_1385 : i32
    %rem3A_1387 = arith.remsi %squeeze3A_1369, %jit3A_1370 : i32
    %ne3A_1388 = arith.constant 0 : i32
    %ne3A_1389 = arith.cmpi ne, %rem3A_1387, %ne3A_1388 : i32
    %and3A_1390 = arith.andi %ne3A_1386, %ne3A_1389 : i1
    %sub3A_1391 = arith.constant 1 : i32
    %sub3A_1392 = arith.subi %div3A_1371, %sub3A_1391 : i32
    %select_n3A_1393 = arith.select %and3A_1390, %sub3A_1392, %div3A_1371 : i32
    %mul3A_1394 = arith.constant 16 : i32
    %mul3A_1395 = arith.muli %select_n3A_1393, %mul3A_1394 : i32
    %min3A_1396 = arith.constant 9986 : i32
    %min3A_1397 = arith.minsi %mul3A_1395, %min3A_1396 : i32
    %sub3A_1398 = arith.subi %squeeze3A_1369, %min3A_1397 : i32
    %eq3A_1399 = vector.broadcast %sub3A_1398 : i32 to vector<16xi32>
    %eq3A_1400 = arith.cmpi eq, %iota3A, %eq3A_1399 : vector<16xi32>
    %convert_element_type3A_1401 = arith.extui %eq3A_1400 : vector<16xi1> to vector<16xi32>
    %convert_element_type3A_1402 = arith.sitofp %convert_element_type3A_1401 : vector<16xi32> to vector<16xf32>
    %swap3A_1403 = arith.constant 7 : i32
    %swap3A_1404 = arith.index_cast %swap3A_1403 : i32 to index
    %swap3A_1405 = arith.index_cast %min3A_1397 : i32 to index
    %swap3A_1406 = tpu.vector_load %arg5[%swap3A_1404, %swap3A_1405] {strides = array<i32>} : memref<8x10002xf32, #tpu.memory_space<vmem>>, vector<16xf32>,
    tpu.vector_store %arg5[%swap3A_1404, %swap3A_1405], %convert_element_type3A_1402 {strides = array<i32>} : memref<8x10002xf32, #tpu.memory_space<vmem>>, vector<16xf32>,
    %add3A_1407 = arith.constant 24 : i32
    %add3A_1408 = arith.addi %mul3A_2, %add3A_1407 : i32
    %multiple_of3A_1409 = tpu.assume_multiple %add3A_1408, 8 : i32
    %dma_start3A_1410 = arith.constant 0 : i32
    %dma_start3A_1411 = tpu.memref_slice %arg3[%multiple_of3A_1409, %dma_start3A_1410] : memref<1024x10002xf32, #tpu.memory_space<hbm>> -> memref<8x10002xf32, #tpu.memory_space<hbm>>
    %dma_start3A_1412 = arith.constant 0 : i32
    %dma_start3A_1413 = tpu.memref_slice %arg3[%multiple_of3A_1409, %dma_start3A_1412] : memref<1024x10002xf32, #tpu.memory_space<hbm>> -> memref<8x10002xf32, #tpu.memory_space<hbm>>
    tpu.enqueue_dma source(%arg5 : memref<8x10002xf32, #tpu.memory_space<vmem>>) target(%dma_start3A_1413 : memref<8x10002xf32, #tpu.memory_space<hbm>>) target_semaphore(%arg6 : memref<!tpu.dma_semaphore, #tpu.memory_space<semaphore_mem>>)
    %dma_wait3A_1414 = arith.constant 0 : i32
    %dma_wait3A_1415 = tpu.memref_slice %arg3[%multiple_of3A_1409, %dma_wait3A_1414] : memref<1024x10002xf32, #tpu.memory_space<hbm>> -> memref<8x10002xf32, #tpu.memory_space<hbm>>
    %dma_wait3A_1416 = arith.constant 0 : i32
    %dma_wait3A_1417 = tpu.memref_slice %arg3[%multiple_of3A_1409, %dma_wait3A_1416] : memref<1024x10002xf32, #tpu.memory_space<hbm>> -> memref<8x10002xf32, #tpu.memory_space<hbm>>
    tpu.wait_dma2 semaphore(%arg6 : memref<!tpu.dma_semaphore, #tpu.memory_space<semaphore_mem>>) src(%arg5 : memref<8x10002xf32, #tpu.memory_space<vmem>>) dst(%dma_wait3A_1417 : memref<8x10002xf32, #tpu.memory_space<hbm>>)
    %swap3A_1418 = arith.constant 0 : i32
    %swap3A_1419 = arith.index_cast %swap3A_1418 : i32 to index
    %swap3A_1420 = arith.index_cast %min3A_1124 : i32 to index
    %swap3A_1421 = tpu.vector_load %arg5[%swap3A_1419, %swap3A_1420] {strides = array<i32>} : memref<8x10002xf32, #tpu.memory_space<vmem>>, vector<16xf32>,
    tpu.vector_store %arg5[%swap3A_1419, %swap3A_1420], %broadcast_in_dim3A_3 {strides = array<i32>} : memref<8x10002xf32, #tpu.memory_space<vmem>>, vector<16xf32>,
    %swap3A_1422 = arith.constant 1 : i32
    %swap3A_1423 = arith.index_cast %swap3A_1422 : i32 to index
    %swap3A_1424 = arith.index_cast %min3A_1163 : i32 to index
    %swap3A_1425 = tpu.vector_load %arg5[%swap3A_1423, %swap3A_1424] {strides = array<i32>} : memref<8x10002xf32, #tpu.memory_space<vmem>>, vector<16xf32>,
    tpu.vector_store %arg5[%swap3A_1423, %swap3A_1424], %broadcast_in_dim3A_3 {strides = array<i32>} : memref<8x10002xf32, #tpu.memory_space<vmem>>, vector<16xf32>,
    %swap3A_1426 = arith.constant 2 : i32
    %swap3A_1427 = arith.index_cast %swap3A_1426 : i32 to index
    %swap3A_1428 = arith.index_cast %min3A_1202 : i32 to index
    %swap3A_1429 = tpu.vector_load %arg5[%swap3A_1427, %swap3A_1428] {strides = array<i32>} : memref<8x10002xf32, #tpu.memory_space<vmem>>, vector<16xf32>,
    tpu.vector_store %arg5[%swap3A_1427, %swap3A_1428], %broadcast_in_dim3A_3 {strides = array<i32>} : memref<8x10002xf32, #tpu.memory_space<vmem>>, vector<16xf32>,
    %swap3A_1430 = arith.constant 3 : i32
    %swap3A_1431 = arith.index_cast %swap3A_1430 : i32 to index
    %swap3A_1432 = arith.index_cast %min3A_1241 : i32 to index
    %swap3A_1433 = tpu.vector_load %arg5[%swap3A_1431, %swap3A_1432] {strides = array<i32>} : memref<8x10002xf32, #tpu.memory_space<vmem>>, vector<16xf32>,
    tpu.vector_store %arg5[%swap3A_1431, %swap3A_1432], %broadcast_in_dim3A_3 {strides = array<i32>} : memref<8x10002xf32, #tpu.memory_space<vmem>>, vector<16xf32>,
    %swap3A_1434 = arith.constant 4 : i32
    %swap3A_1435 = arith.index_cast %swap3A_1434 : i32 to index
    %swap3A_1436 = arith.index_cast %min3A_1280 : i32 to index
    %swap3A_1437 = tpu.vector_load %arg5[%swap3A_1435, %swap3A_1436] {strides = array<i32>} : memref<8x10002xf32, #tpu.memory_space<vmem>>, vector<16xf32>,
    tpu.vector_store %arg5[%swap3A_1435, %swap3A_1436], %broadcast_in_dim3A_3 {strides = array<i32>} : memref<8x10002xf32, #tpu.memory_space<vmem>>, vector<16xf32>,
    %swap3A_1438 = arith.constant 5 : i32
    %swap3A_1439 = arith.index_cast %swap3A_1438 : i32 to index
    %swap3A_1440 = arith.index_cast %min3A_1319 : i32 to index
    %swap3A_1441 = tpu.vector_load %arg5[%swap3A_1439, %swap3A_1440] {strides = array<i32>} : memref<8x10002xf32, #tpu.memory_space<vmem>>, vector<16xf32>,
    tpu.vector_store %arg5[%swap3A_1439, %swap3A_1440], %broadcast_in_dim3A_3 {strides = array<i32>} : memref<8x10002xf32, #tpu.memory_space<vmem>>, vector<16xf32>,
    %swap3A_1442 = arith.constant 6 : i32
    %swap3A_1443 = arith.index_cast %swap3A_1442 : i32 to index
    %swap3A_1444 = arith.index_cast %min3A_1358 : i32 to index
    %swap3A_1445 = tpu.vector_load %arg5[%swap3A_1443, %swap3A_1444] {strides = array<i32>} : memref<8x10002xf32, #tpu.memory_space<vmem>>, vector<16xf32>,
    tpu.vector_store %arg5[%swap3A_1443, %swap3A_1444], %broadcast_in_dim3A_3 {strides = array<i32>} : memref<8x10002xf32, #tpu.memory_space<vmem>>, vector<16xf32>,
    %swap3A_1446 = arith.constant 7 : i32
    %swap3A_1447 = arith.index_cast %swap3A_1446 : i32 to index
    %swap3A_1448 = arith.index_cast %min3A_1397 : i32 to index
    %swap3A_1449 = tpu.vector_load %arg5[%swap3A_1447, %swap3A_1448] {strides = array<i32>} : memref<8x10002xf32, #tpu.memory_space<vmem>>, vector<16xf32>,
    tpu.vector_store %arg5[%swap3A_1447, %swap3A_1448], %broadcast_in_dim3A_3 {strides = array<i32>} : memref<8x10002xf32, #tpu.memory_space<vmem>>, vector<16xf32>,
    return
  }
}

</mosaic_0001>

<sc_bundles>
// kernel: kernel.3.cloned.1.call-start
scs
__scs_entry_jumppad:
0x0: {  	(pc) =	sbr.rel $0x88, $3  }
0x1: {  	(tag) =	ssettag $0x0;
	lr =	simm.s32 $0x1  }
0x2: {  	[smem:$0x3FA0] =	sst lr;
	_ =	strace $0xD0000000  }
0x3: {  	_ = 	snop  }
0x4: {  	_ = 	snop  }
0x5: {  	_ = 	snop  }
0x6: {  	_ = 	snop  }
0x7: {  	_ = 	snop  }
__scs_overlays_trampoline_lowered:
0x8: {  	[smem:$0x3FAF] =	sst s0  }
0x9: {  	[smem:$0x3FB0] =	sst s1  }
0xa: {  	[smem:$0x3FB1] =	sst s2  }
0xb: {  	[smem:$0x3FB2] =	sst s3  }
0xc: {  	[smem:$0x3FB3] =	sst s4  }
0xd: {  	[smem:$0x3FB4] =	sst s5  }
0xe: {  	[smem:$0x3FB5] =	sst s6  }
0xf: {  	[smem:$0x3FB6] =	sst s7  }
0x10: {  	[smem:$0x3FB7] =	sst s8  }
0x11: {  	[smem:$0x3FB8] =	sst s9;
	s0 =	simm.s32 @!p0 $0x0  }
0x12: {  	s1 =	sld [smem:$0x3F9E];
	s0 =	simm.s32 @p0 $0x1  }
0x13: {  	[smem:$0x3FB9] =	sst s0;
	s0 =	simm.s32 @!p1 $0x0  }
0x14: {  	s2 =	sld [smem:$0x3F9D];
	s0 =	simm.s32 @p1 $0x1  }
0x15: {  	[smem:$0x3FBA] =	sst s0;
	s0 =	simm.s32 @!p2 $0x0  }
0x16: {  	s3 =	sld [smem:$0x3FDB];
	s0 =	simm.s32 @p2 $0x1  }
0x17: {  	s4 =	simm.s32 $0x1BF5;
	[smem:$0x3FBC] =	sst s0  }
0x18: {  	s0 =	sld [smem:$0x3F9F];
	_ =	swait.ge [sflag:s4], $0x0  }
0x19: {  	s7 =	sld [smem:$0x3FA0]  }
0x1a: {  	s8 =	sadd.s32 $0xFFFFE003, lr  }
0x1b: {  	s9 =	sadd.s32 $0xFFFFFEF7, lr;
	s5 =	simm.s32 $0xFFFFFFFF;
	p2 =	slt.u32 s8, $0xFFFFF086  }
0x1c: {  	p1 =	slt.u32 s9, $0xF7A;
	s5 =	simm.s32 @!p2 $0x0  }
0x1d: {  	s5 =	simm.s32 @p1 $0x1;
	p0 =	seq.s32 s7, s2  }
0x1e: {  	s7 =	smul.u32 @!p0 $0xF7A, s2;
	p2 =	seq.s32 @!p0 s5, $0x0  }
0x1f: {  	s9 =	smul.u32 $0xF7A, s1;
	s8 =	simm.s32 @!p0 $0x1BF5;
	p2 =	por !p2, p0  }
0x20: {  	[sflag:s8] =	ssyncset.s32 @!p0 $0xFFFFF086;
	s6 =	sadd.s32 @!p0 s3, s7;
	s7 =	simm.s32 @!p0 $0x108  }
0x21: {  	s3 =	sadd.s32 s3, s9;
	s6 =	sadd.s32 @!p0 $0x88, s6;
	s7 =	simm.s32 @p2 $0x1082  }
0x22: {  	[simem:s7], [sflag:s8] =	dma.local @!p0 [hbm:s6], $0xF7A  }
0x23: {  	s9 =	sor.u32 $0xD0000000, s2;
	s6 =	simm.s32 $0x108;
	_ =	swait.ge @!p0 [sflag:s8], $0x0  }
0x24: {  	s3 =	sadd.s32 $0x88, s3;
	s6 =	simm.s32 @!p1 $0x1082;
	[sflag:s4] =	ssyncset.s32 $0xFFFFF086  }
0x25: {  	[simem:s6], [sflag:s4] =	dma.local [hbm:s3], $0xF7A  }
0x26: {  	[smem:$0x3FA0] =	sst s1;
	(tag) =	ssettag s2;
	_ =	strace s9  }
0x27: {  	s1 =	sld [smem:$0x3FB0]  }
0x28: {  	s2 =	sld [smem:$0x3FB1]  }
0x29: {  	s4 =	sld [smem:$0x3FB3]  }
0x2a: {  	p0 =	seq.s32 s5, $0x0;
	s5 =	sld [smem:$0x3FB4]  }
0x2b: {  	s6 =	sld [smem:$0x3FB5]  }
0x2c: {  	s7 =	sld [smem:$0x3FB6]  }
0x2d: {  	s3 =	simm.s32 $0x108;
	s8 =	sld [smem:$0x3FB7]  }
0x2e: {  	s3 =	simm.s32 @!p0 $0x1082;
	s9 =	sld [smem:$0x3FB8]  }
0x2f: {  	lr =	sadd.s32 s0, s3;
	s0 =	sld [smem:$0x3FAF]  }
0x30: {  	s3 =	sld [smem:$0x3FB2]  }
0x31: {  	[smem:$0x3FBB] =	sst s10  }
0x32: {  	s10 =	sld [smem:$0x3FB9];
	_ =	sdelay $0x3  }
0x33: {  	p0 =	seq.s32 s10, $0x1;
	s10 =	sld [smem:$0x3FBB];
	_ =	sdelay $0x3  }
0x34: {  	[smem:$0x3FBB] =	sst s10  }
0x35: {  	s10 =	sld [smem:$0x3FBA];
	_ =	sdelay $0x3  }
0x36: {  	p1 =	seq.s32 s10, $0x1;
	s10 =	sld [smem:$0x3FBB];
	_ =	sdelay $0x3  }
0x37: {  	[smem:$0x3FBB] =	sst s10  }
0x38: {  	s10 =	sld [smem:$0x3FBC]  }
0x39: {  	_ = 	snop;
	(pc) =	sbr.ind lr, $3  }
0x3a: {  	_ = 	snop  }
0x3b: {  	_ = 	snop  }
0x3c: {  	p2 =	seq.s32 s10, $0x1;
	s10 =	sld [smem:$0x3FBB]  }
0x3d: {  	_ =	shalt  }
0x3e: {  	_ =	shalt  }
0x3f: {  	_ =	shalt  }
0x40: {  	_ =	shalt  }
0x41: {  	_ =	shalt  }
0x42: {  	_ =	shalt  }
0x43: {  	_ =	shalt  }
0x44: {  	_ =	shalt  }
0x45: {  	_ =	shalt  }
0x46: {  	_ =	shalt  }
0x47: {  	_ =	shalt  }
0x48: {  	_ =	shalt  }
0x49: {  	_ =	shalt  }
0x4a: {  	_ =	shalt  }
0x4b: {  	_ =	shalt  }
0x4c: {  	_ =	shalt  }
0x4d: {  	_ =	shalt  }
0x4e: {  	_ =	shalt  }
0x4f: {  	_ =	shalt  }
0x50: {  	_ =	shalt  }
0x51: {  	_ =	shalt  }
0x52: {  	_ =	shalt  }
0x53: {  	_ =	shalt  }
0x54: {  	_ =	shalt  }
0x55: {  	_ =	shalt  }
0x56: {  	_ =	shalt  }
0x57: {  	_ =	shalt  }
0x58: {  	_ =	shalt  }
0x59: {  	_ =	shalt  }
0x5a: {  	_ =	shalt  }
0x5b: {  	_ =	shalt  }
0x5c: {  	_ =	shalt  }
0x5d: {  	_ =	shalt  }
0x5e: {  	_ =	shalt  }
0x5f: {  	_ =	shalt  }
0x60: {  	_ =	shalt  }
0x61: {  	_ =	shalt  }
0x62: {  	_ =	shalt  }
0x63: {  	_ =	shalt  }
0x64: {  	_ =	shalt  }
0x65: {  	_ =	shalt  }
0x66: {  	_ =	shalt  }
0x67: {  	_ =	shalt  }
0x68: {  	_ =	shalt  }
0x69: {  	_ =	shalt  }
0x6a: {  	_ =	shalt  }
0x6b: {  	_ =	shalt  }
0x6c: {  	_ =	shalt  }
0x6d: {  	_ =	shalt  }
0x6e: {  	_ =	shalt  }
0x6f: {  	_ =	shalt  }
0x70: {  	_ =	shalt  }
0x71: {  	_ =	shalt  }
0x72: {  	_ =	shalt  }
0x73: {  	_ =	shalt  }
0x74: {  	_ =	shalt  }
0x75: {  	_ =	shalt  }
0x76: {  	_ =	shalt  }
0x77: {  	_ =	shalt  }
0x78: {  	_ =	shalt  }
0x79: {  	_ =	shalt  }
0x7a: {  	_ =	shalt  }
0x7b: {  	_ =	shalt  }
0x7c: {  	_ =	shalt  }
0x7d: {  	_ =	shalt  }
0x7e: {  	_ =	shalt  }
0x7f: {  	_ =	shalt  }
0x80: {  	_ =	shalt  }
0x81: {  	_ =	shalt  }
0x82: {  	_ =	shalt  }
0x83: {  	_ =	shalt  }
0x84: {  	_ =	shalt  }
0x85: {  	_ =	shalt  }
0x86: {  	_ =	shalt  }
0x87: {  	_ =	shalt  }
.Lfunc_end0:
.L_simem_size_0:
called_computation_lowered:
.L_overlay_start_0:
0x88: {  	s2 =	sld [smem:$0x3FD9]  }
0x89: {  	s3 =	sld [smem:$0x3FFE];
	_ =	sdelay $0x1  }
0x8a: {  	s1 =	srdreg.scid  }
0x8b: {  	s0 =	sand.u32 $0x1, s1  }
0x8c: {  	s17 =	sshll.u32 s0, $0xA;
	s2 =	sadd.s32 s3, s2  }
0x8d: {  	s2 =	sadd.s32 s2, s17  }
0x8e: {  	[smem:$0x3FC7] =	sst s2  }
0x8f: {  	_ = 	snop  }
0x90: {  	s2 =	sld [smem:$0x3FC9];
	(tm) =	ssettm $0x1  }
0x91: {  	s18 =	sld [smem:$0x3FFB];
	_ =	sdelay $0x3  }
0x92: {  	_ =	strace s18  }
0x93: {  	s3 =	sld [smem:$0x3FFC];
	_ =	sdelay $0x3  }
0x94: {  	_ =	strace s3  }
0x95: {  	s3 =	sld [smem:$0x3FFD];
	_ =	sdelay $0x3  }
0x96: {  	_ =	strace s3  }
0x97: {  	_ =	strace $0x8FFFFFFF  }
0x98: {  	s19 =	sld [smem:$0x3FDB];
	_ =	sdelay $0x1  }
0x99: {  	s4 =	simm.s32 $_scs_section_size  }
0x9a: {  	s5 =	simm.s32 $_size__tile_overlayer_lowered;
	s6 =	simm.s32 $_tile_overlayer_lowered  }
0x9b: {  	s22 =	simm.s32 $0x1BFF;
	s21 =	sshll.u32 s6, $0x1;
	s3 =	sadd.s32 s4, s19  }
0x9c: {  	s7 =	simm.s32 $0x0;
	s20 =	sshll.u32 s5, $0x1;
	s5 =	sadd.s32 s21, s3  }
0x9d: {  	[timem:s7], [sflag:s22] =	dma.local [hbm:s5], s20  }
0x9e: {  	_ =	swait.ge [sflag:s22], s20  }
0x9f: {  	s4 =	ssub.s32 $0x0, s20;
	[sflag:s22] =	ssyncset.done $0x0  }
0xa0: {  	[sflag:s22] =	ssyncadd.s32 s4;
	_ =	sdelay $0x1  }
0xa1: {  	s23 =	simm.s32 $0x1B8B  }
0xa2: {  	_ =	swait.ge [sflag:s23], $0x1  }
0xa3: {  	[sflag:s23] =	ssyncset.done $0x0  }
0xa4: {  	s25 =	simm.s32 $0x1B8E;
	s24 =	sld [smem:$0x3FFE];
	[sflag:s23] =	ssyncadd.s32 $0xFFFFFFFF  }
0xa5: {  	s26 =	simm.s32 $execute0_lowered;
	[smem:$0x3FD2] =	sst s25  }
0xa6: {  	s5 =	sshll.u32 s26, $0x1;
	_ =	strace $0x80000046;
	[dreg:$0x1] =	wrdreg $0xFFFFFFFF  }
0xa7: {  	s28 =	simm.s32 $_size_execute0_lowered;
	s3 =	sadd.s32 s3, s5;
	[dreg:$0x0] =	wrdreg $0x0  }
0xa8: {  	s5 =	sshll.u32 s28, $0x1;
	[dreg:$0x2] =	wrdreg s3  }
0xa9: {  	[dreg:$0x3] =	wrdreg s5  }
0xaa: {  	[dreg:$0x4] =	wrdreg $0xC0  }
0xab: {  	_ =	task [dreg:s7], $0x5FFFF  }
0xac: {  	[dreg:$0x1] =	wrdreg $0xFFFFFFFF  }
0xad: {  	[dreg:$0x0] =	wrdreg $0x60  }
0xae: {  	[dreg:$0x2] =	wrdreg s2  }
0xaf: {  	[dreg:$0x3] =	wrdreg s24  }
0xb0: {  	[dreg:$0x4] =	wrdreg $0x9  }
0xb1: {  	_ =	task.clear_ibuf [dreg:s7], $0x5FFFF;
	_ =	strace $0x90000046  }
0xb2: {  	s29 =	simm.s32 $0x9;
	_ =	strace $0x80000048  }
0xb3: {  	_ =	swait.ge [sflag:s29], $0x1  }
0xb4: {  	[sflag:s29] =	ssyncadd.s32 $0xFFFFFFFF  }
0xb5: {  	_ =	strace $0x90000048  }
0xb6: {  	_ =	sfence  }
0xb7: {  	s30 =	sld [smem:$0x0];
	_ =	sdelay $0x2  }
0xb8: {  	s31 =	sshll.u32 s1, $0xD;
	s1 =	sshrl.u32 s1, $0x2  }
0xb9: {  	s3 =	sand.u32 $0x4000, s31;
	s1 =	sadd.s32 s1, s30  }
0xba: {  	s0 =	sor.u32 s3, s0;
	s1 =	sshll.u32 s1, $0x11  }
0xbb: {  	s0 =	sor.u32 s1, s0  }
0xbc: {  	s0 =	sadd.s32 $0x8F2B, s0  }
0xbd: {  	[sflag:s0] =	ssyncadd.remote.s32 $0x1  }
0xbe: {  	_ =	sfence.sel $0xFFFF  }
0xbf: {  	[dreg:$0x0] =	wrdreg $0xFFFFFFFF;
	(pc) =	sbr.abs _section_cstart, $3  }
0xc0: {  	[dreg:$0x1] =	wrdreg $0xFFFFFFFF  }
0xc1: {  	_ =	task.clear_ibuf [dreg:s7], $0x2FFFF;
	_ =	strace $0x9FFFFFFF  }
0xc2: {  	(tm) =	ssettm $0x7FFFFFFF  }
0xc3: {  	_ =	shalt  }
tec
execute0_lowered:
.L_overlay_start_1:
0x0: {  	(tag) =	ssettag $0x1  }
0x1: {  	s1 =	srdreg.scid  }
0x2: {  	s3 =	rddreg [dreg:$0x0];
	s0 =	stileid.u32  }
0x3: {  	s5 =	rddreg [dreg:$0x1];
	s2 =	simm.s32 $0x0;
	s10 =	simm.s32 $0x1  }
0x4: {  	s11 =	simm.s32 $0x80;
	s12 =	simm.s32 $0x0;
	s4 =	sand.u32 $0x1, s1  }
0x5: {  	s6 =	sshll.u32 s0, $0x3;
	s1 =	rddreg [dreg:$0x2];
	s7 =	sshll.u32 s4, $0x2  }
0x6: {  	[smem:$0x7FF] =	sst s2;
	s4 =	ssub.s32 $0x2, s4;
	s6 =	sor.u32 s7, s6  }
0x7: {  	s5 =	sadd.s32 $0x400, s5;
	s8 =	sshrl.u32 s4, $0x1;
	s7 =	smul.u32 $0x13C00, s6  }
0x8: {  	_ =	strace $0x80000047;
	s9 =	smul.u32 $0x2780, s6;
	s8 =	ssub.s32 s4, s8  }
0x9: {  	s3 =	sadd.s32 s3, s6;
	s8 =	smax.u32 s8, $0x1;
	s7 =	sshrl.u32 s7, $0x3  }
0xa: {  	s4 =	sadd.s32 s5, s9;
	s9 =	simm.s32 $0x2;
	s7 =	sadd.s32 s5, s7  }
0xb: {  	v0 =	vimm.f32 $0.0e+00;
	v1 =	vlaneseq.u32;
	v2 =	vimm.s32 $0x0;
	s5 =	sadd.s32 $0x2780, s7;
	s6 =	sadd.s32 $0x4F00, s7;
	s7 =	sadd.s32 $0x7680, s7  }
.LBB2_1:
0xc: {  	[tilespmem:s2], [sflag:$0x2] =	stream.linear.gather [hbm4b:s3+s2], $0x20, $0x38;
	[tilespmem:$0x13C80] =	vst v63  }
0xd: {  	_ =	swait.ge [sflag:s9], $0x20  }
0xe: {  	s13 =	sand.u32 $0x70, s2;
	s14 =	sand.u32 $0x1FC00, s2;
	[sflag:s9] =	ssyncset.done $0x0  }
0xf: {  	s13 =	sor.u32 s13, s14;
	[sflag:s9] =	ssyncadd.s32 $0xFFFFFFE0  }
0x10: {  	[tilespmem:s13+$0x100] =	vst v0  }
0x11: {  	[tilespmem:s13+$0x180] =	vst v0  }
0x12: {  	s17 =	sand.u32 $0x7, s2;
	[tilespmem:s13+$0x200] =	vst v0  }
0x13: {  	s15 =	simm.s32 $0x10;
	s16 =	simm.s32 $0x0;
	s14 =	simm.s32 $0x0;
	[tilespmem:s13+$0x280] =	vst v0  }
.LBB2_2:
0x14: {  	p0 =	sne.s32 s15, $0x2700;
	s17 =	sshll.u32 s17, $0x4;
	[tilespmem:s13+$0x300] =	vst v0  }
0x15: {  	s17 =	sadd.s32 s17, s14;
	[tilespmem:s13+$0x380] =	vst v0;
	s14 =	sadd.s32 $0x80, s14  }
0x16: {  	s18 =	sand.u32 $0x70, s15;
	s19 =	sand.u32 $0x1FC00, s14;
	[tilespmem:s13+$0x80] =	vst v0;
	s17 =	sor.u32 $0x380, s17  }
.Ltmp0:
0x17: {  	s13 =	sor.u32 s18, s19;
	[tilespmem:s17+$0x80] =	vst v0;
	(pc) =	sbr.rel @p0 .LBB2_2-.Ltmp0, $4  }
0x18: {  	[tilespmem:s13+$0x100] =	vst v0  }
0x19: {  	[tilespmem:s13+$0x180] =	vst v0  }
0x1a: {  	s16 =	sadd.s32 $0x1, s16;
	[tilespmem:s13+$0x200] =	vst v0  }
0x1b: {  	s15 =	sadd.s32 $0x10, s15;
	s17 =	sand.u32 $0x7, s16;
	[tilespmem:s13+$0x280] =	vst v0  }
0x1c: {  	s15 =	sshll.u32 s17, $0x4;
	[tilespmem:s13+$0x300] =	vst v0  }
0x1d: {  	[tilespmem:s13+$0x380] =	vst v0;
	s14 =	sadd.s32 s15, s14  }
0x1e: {  	[tilespmem:s13+$0x80] =	vst v0;
	s21 =	sor.u32 $0x380, s14  }
0x1f: {  	[tilespmem:s21+$0x80] =	vst v0  }
0x20: {  	v3 =	vld [tilespmem:$0x0];
	_ =	sdelay $0x4  }
0x21: {  	(v2sf) =	vpush v3, $0x0;
	_ =	sdelay $0x1  }
0x22: {  	(v2sf) =	vpush v3, $0x1;
	_ =	sdelay $0x1  }
0x23: {  	(v2sf) =	vpush v3, $0x2;
	_ =	sdelay $0x1  }
0x24: {  	(v2sf) =	vpush v3, $0x3;
	_ =	sdelay $0x8  }
0x25: {  	s15 =	simm.s32 $0x1;
	s22 =	spop (v2sf)  }
0x26: {  	s23 =	sand.u32 $0xF, s22;
	s24 =	sshra.s32 s22, $0x1F;
	p0 =	slt.s32 s22, $0x1  }
0x27: {  	s26 =	spop (v2sf);
	p1 =	sne.s32 s23, $0x0;
	s25 =	sshrl.u32 s24, $0x1C  }
0x28: {  	s28 =	sand.u32 $0xF, s26;
	s16 =	sshra.s32 s26, $0x1F;
	p5 =	slt.s32 s26, $0x1  }
0x29: {  	s18 =	spop (v2sf);
	p0 =	por !p0, !p1;
	s14 =	sadd.s32 s25, s22  }
0x2a: {  	p6 =	sne.s32 s28, $0x0;
	s29 =	sshrl.u32 s16, $0x1C;
	s16 =	simm.s32 $0x1  }
0x2b: {  	s19 =	sand.u32 $0xF, s18;
	s20 =	sshra.s32 s18, $0x1F;
	s21 =	spop (v2sf)  }
0x2c: {  	p0 =	por !p0, !p0;
	s14 =	sshrl.u32 s14, $0x4;
	p2 =	sne.s32 s19, $0x0  }
0x2d: {  	s23 =	sshrl.u32 s20, $0x1C;
	s20 =	simm.s32 $0x1;
	s24 =	sand.u32 $0xF, s21  }
0x2e: {  	p3 =	slt.s32 s21, $0x1;
	s15 =	simm.s32 @!p0 $0x0;
	p0 =	por !p5, !p6  }
0x2f: {  	(v2sf) =	vpush v3, $0x4;
	s19 =	sadd.s32 s23, s18;
	p4 =	sne.s32 s24, $0x0;
	s14 =	ssub.s32 s14, s15  }
0x30: {  	s15 =	sadd.s32 s29, s26;
	p0 =	por !p0, !p0;
	s14 =	sshll.u32 s14, $0x4  }
0x31: {  	s15 =	sshrl.u32 s15, $0x4;
	s16 =	simm.s32 @!p0 $0x0;
	p1 =	slt.s32 s14, $0x2702  }
0x32: {  	s19 =	sshrl.u32 s19, $0x4;
	s15 =	ssub.s32 s15, s16;
	s14 =	simm.s32 @!p1 $0x2702  }
0x33: {  	s15 =	sshll.u32 s15, $0x4;
	p1 =	slt.s32 s18, $0x1;
	s16 =	ssub.s32 s22, s14  }
0x34: {  	s30 =	sshll.u32 s14, $0x3;
	s14 =	sand.u32 $0x72, s14;
	p0 =	slt.s32 s15, $0x2702  }
0x35: {  	(v2sf) =	vpush v3, $0x5;
	s22 =	sshra.s32 s21, $0x1F;
	s13 =	sand.u32 $0xFFFFFC00, s30;
	s15 =	simm.s32 @!p0 $0x2702  }
0x36: {  	p0 =	por !p1, !p2;
	s25 =	sshrl.u32 s22, $0x1C;
	s22 =	simm.s32 $0x1  }
0x37: {  	(v2sf) =	vpush v3, $0x6;
	s13 =	sor.u32 s14, s13;
	s17 =	ssub.s32 s26, s15;
	p0 =	por !p0, !p0  }
0x38: {  	s31 =	sand.u32 $0x72, s15;
	s15 =	sshll.u32 s15, $0x3;
	s20 =	simm.s32 @!p0 $0x0  }
0x39: {  	s15 =	sand.u32 $0xFFFFFC00, s15;
	p0 =	por !p3, !p4;
	s19 =	ssub.s32 s19, s20  }
0x3a: {  	p0 =	por !p0, !p0;
	s20 =	sshll.u32 s19, $0x4;
	s19 =	sadd.s32 s25, s21  }
0x3b: {  	s22 =	simm.s32 @!p0 $0x0;
	p1 =	slt.s32 s20, $0x2702;
	s19 =	sshrl.u32 s19, $0x4  }
0x3c: {  	s14 =	sor.u32 s31, s15;
	s20 =	simm.s32 @!p1 $0x2702;
	s26 =	ssub.s32 s19, s22  }
0x3d: {  	s19 =	ssub.s32 s18, s20;
	s28 =	sshll.u32 s20, $0x3;
	s22 =	sshll.u32 s26, $0x4  }
0x3e: {  	s29 =	sand.u32 $0x72, s20;
	s20 =	spop (v2sf);
	s18 =	sand.u32 $0xFFFFFC00, s28  }
0x3f: {  	p0 =	slt.s32 s22, $0x2702;
	s23 =	sand.u32 $0xF, s20;
	s24 =	sshra.s32 s20, $0x1F  }
0x40: {  	p5 =	slt.s32 s20, $0x1;
	s15 =	sor.u32 s29, s18;
	s22 =	simm.s32 @!p0 $0x2702  }
0x41: {  	(v2sf) =	vpush v3, $0x7;
	p6 =	sne.s32 s23, $0x0;
	s26 =	sshrl.u32 s24, $0x1C;
	s24 =	simm.s32 $0x1  }
0x42: {  	s21 =	ssub.s32 s21, s22;
	s30 =	sand.u32 $0x72, s22;
	p0 =	por !p5, !p6  }
0x43: {  	s31 =	sshll.u32 s22, $0x3;
	s22 =	sadd.s32 s26, s20;
	p0 =	por !p0, !p0  }
0x44: {  	s25 =	sshrl.u32 s22, $0x4;
	s22 =	spop (v2sf);
	s23 =	sand.u32 $0xFFFFFC00, s31  }
0x45: {  	s24 =	simm.s32 @!p0 $0x0;
	s28 =	sand.u32 $0xF, s22;
	s26 =	sshra.s32 s22, $0x1F  }
0x46: {  	p1 =	slt.s32 s22, $0x1;
	s18 =	sor.u32 s30, s23;
	s23 =	spop (v2sf)  }
0x47: {  	s24 =	ssub.s32 s25, s24;
	p2 =	sne.s32 s28, $0x0;
	s29 =	sshrl.u32 s26, $0x1C  }
0x48: {  	s26 =	simm.s32 $0x1;
	s28 =	sand.u32 $0xF, s23;
	p3 =	slt.s32 s23, $0x1  }
0x49: {  	s24 =	sshll.u32 s24, $0x4;
	p0 =	por !p1, !p2;
	s25 =	sadd.s32 s29, s22  }
0x4a: {  	s29 =	sshra.s32 s23, $0x1F;
	p4 =	sne.s32 s28, $0x0;
	p0 =	por !p0, !p0  }
0x4b: {  	p1 =	slt.s32 s24, $0x2702;
	s25 =	sshrl.u32 s25, $0x4;
	s26 =	simm.s32 @!p0 $0x0  }
0x4c: {  	s28 =	simm.s32 $0x1;
	s24 =	simm.s32 @!p1 $0x2702;
	s30 =	ssub.s32 s25, s26  }
0x4d: {  	s25 =	ssub.s32 s20, s24;
	s31 =	sand.u32 $0x72, s24;
	s24 =	sshll.u32 s24, $0x3  }
0x4e: {  	s26 =	sshll.u32 s30, $0x4;
	s24 =	sand.u32 $0xFFFFFC00, s24;
	s30 =	sshrl.u32 s29, $0x1C  }
0x4f: {  	[tilespmem:$0x13882] =	vst v0;
	p0 =	slt.s32 s26, $0x2702;
	s20 =	sor.u32 s31, s24;
	s24 =	sadd.s32 s30, s23  }
0x50: {  	[tilespmem:$0x13902] =	vst v0;
	s26 =	simm.s32 @!p0 $0x2702;
	p0 =	por !p3, !p4;
	s29 =	spop (v2sf)  }
0x51: {  	[tilespmem:$0x13982] =	vst v0;
	s24 =	sshrl.u32 s24, $0x4;
	p0 =	por !p0, !p0;
	s30 =	sand.u32 $0xF, s29  }
0x52: {  	[tilespmem:$0x13A02] =	vst v0;
	s31 =	sshra.s32 s29, $0x1F;
	p6 =	slt.s32 s29, $0x1;
	p5 =	sne.s32 s30, $0x0  }
0x53: {  	[tilespmem:$0x13A82] =	vst v0;
	s28 =	simm.s32 @!p0 $0x0;
	s30 =	sshrl.u32 s31, $0x1C;
	p0 =	por !p6, !p5  }
0x54: {  	[tilespmem:$0x13B02] =	vst v0;
	v3 =	vmov s16;
	s16 =	sadd.s32 s30, s29;
	s30 =	simm.s32 $0x1;
	p0 =	por !p0, !p0  }
0x55: {  	[tilespmem:$0x13B82] =	vst v0;
	vm0 =	veq.s32 v3, v1;
	v3 =	vmov s17;
	s31 =	ssub.s32 s24, s28;
	s16 =	sshrl.u32 s16, $0x4;
	s30 =	simm.s32 @!p0 $0x0  }
0x56: {  	[tilespmem:$0x13C02] =	vst v0;
	v4 =	vsel vm0, $0x3F800000, v2;
	vm9 =	veq.s32 v3, v1;
	v3 =	vmov s19;
	s22 =	ssub.s32 s22, s26;
	s17 =	sshll.u32 s31, $0x4;
	s16 =	ssub.s32 s16, s30  }
0x57: {  	[tilespmem:s13+$0x80] =	vst v4;
	v37 =	vsel vm9, $0x3F800000, v2;
	vm10 =	veq.s32 v3, v1;
	v3 =	vmov s21;
	s24 =	sand.u32 $0x72, s26;
	p0 =	slt.s32 s17, $0x2702;
	s16 =	sshll.u32 s16, $0x4  }
0x58: {  	[tilespmem:s14+$0x100] =	vst v37;
	v38 =	vsel vm10, $0x3F800000, v2;
	vm11 =	veq.s32 v3, v1;
	v3 =	vmov s25;
	s28 =	sshll.u32 s26, $0x3;
	s17 =	simm.s32 @!p0 $0x2702;
	p0 =	slt.s32 s16, $0x2702  }
0x59: {  	[tilespmem:s15+$0x180] =	vst v38;
	v39 =	vsel vm11, $0x3F800000, v2;
	vm12 =	veq.s32 v3, v1;
	v3 =	vmov s22;
	s30 =	sand.u32 $0xFFFFFC00, s28;
	s31 =	ssub.s32 s23, s17;
	s16 =	simm.s32 @!p0 $0x2702  }
0x5a: {  	[tilespmem:s18+$0x200] =	vst v39;
	v40 =	vsel vm12, $0x3F800000, v2;
	vm13 =	veq.s32 v3, v1;
	s19 =	sor.u32 s24, s30;
	s22 =	sshll.u32 s17, $0x3;
	v3 =	vmov s31;
	s23 =	ssub.s32 s29, s16  }
0x5b: {  	[tilespmem:s20+$0x280] =	vst v40;
	v41 =	vsel vm13, $0x3F800000, v2;
	s17 =	sand.u32 $0x72, s17;
	s21 =	sand.u32 $0xFFFFFC00, s22;
	vm14 =	veq.s32 v3, v1;
	s24 =	sshll.u32 s16, $0x3;
	v3 =	vmov s23  }
0x5c: {  	[tilespmem:s19+$0x300] =	vst v41;
	s17 =	sor.u32 s17, s21;
	v42 =	vsel vm14, $0x3F800000, v2;
	s16 =	sand.u32 $0x72, s16;
	s25 =	sand.u32 $0xFFFFFC00, s24;
	vm15 =	veq.s32 v3, v1  }
0x5d: {  	[tilespmem:s17+$0x380] =	vst v42;
	s16 =	sor.u32 s16, s25;
	v3 =	vsel vm15, $0x3F800000, v2  }
0x5e: {  	[tilespmem:s16+$0x400] =	vst v3  }
0x5f: {  	[hbm4b:s4+s2] =	stream.linear.scatter [tilespmem:s11], [sflag:$0x1], $0x13C00, $0x38;
	[tilespmem:$0x13C80] =	vst v63  }
0x60: {  	_ =	swait.ge [sflag:s10], $0x13C00  }
0x61: {  	[sflag:s10] =	ssyncset.done $0x0  }
0x62: {  	[sflag:s10] =	ssyncadd.s32 $0xFFFEC400  }
0x63: {  	[tilespmem:s13+$0x80] =	vst v0  }
0x64: {  	[tilespmem:s14+$0x100] =	vst v0  }
0x65: {  	[tilespmem:s15+$0x180] =	vst v0  }
0x66: {  	[tilespmem:s18+$0x200] =	vst v0  }
0x67: {  	[tilespmem:s20+$0x280] =	vst v0  }
0x68: {  	[tilespmem:s19+$0x300] =	vst v0  }
0x69: {  	[tilespmem:s17+$0x380] =	vst v0  }
0x6a: {  	[tilespmem:s16+$0x400] =	vst v0  }
0x6b: {  	v3 =	vld [tilespmem:$0x0];
	_ =	sdelay $0x4  }
0x6c: {  	(v2sf) =	vpush v3, $0x8;
	_ =	sdelay $0x1  }
0x6d: {  	(v2sf) =	vpush v3, $0x9;
	_ =	sdelay $0x1  }
0x6e: {  	(v2sf) =	vpush v3, $0xA;
	_ =	sdelay $0xa  }
0x6f: {  	s15 =	simm.s32 $0x1;
	s26 =	spop (v2sf)  }
0x70: {  	s28 =	sand.u32 $0xF, s26;
	s29 =	sshra.s32 s26, $0x1F;
	p1 =	slt.s32 s26, $0x1  }
0x71: {  	s31 =	spop (v2sf);
	p2 =	sne.s32 s28, $0x0;
	s30 =	sshrl.u32 s29, $0x1C  }
0x72: {  	(v2sf) =	vpush v3, $0xB;
	s16 =	sand.u32 $0xF, s31;
	s18 =	sshra.s32 s31, $0x1F;
	p3 =	slt.s32 s31, $0x1  }
0x73: {  	s21 =	spop (v2sf);
	p0 =	por !p1, !p2;
	s14 =	sadd.s32 s30, s26  }
0x74: {  	p4 =	sne.s32 s16, $0x0;
	s19 =	sshrl.u32 s18, $0x1C;
	p0 =	por !p0, !p0  }
0x75: {  	s16 =	simm.s32 $0x1;
	s14 =	sshrl.u32 s14, $0x4;
	s15 =	simm.s32 @!p0 $0x0  }
0x76: {  	s25 =	sand.u32 $0xF, s21;
	p0 =	por !p3, !p4;
	s14 =	ssub.s32 s14, s15  }
0x77: {  	s15 =	sadd.s32 s19, s31;
	p0 =	por !p0, !p0;
	s14 =	sshll.u32 s14, $0x4  }
0x78: {  	s15 =	sshrl.u32 s15, $0x4;
	s16 =	simm.s32 @!p0 $0x0;
	p1 =	slt.s32 s14, $0x2702  }
0x79: {  	(v2sf) =	vpush v3, $0xC;
	p5 =	slt.s32 s21, $0x1;
	s15 =	ssub.s32 s15, s16;
	s14 =	simm.s32 @!p1 $0x2702  }
0x7a: {  	p6 =	sne.s32 s25, $0x0;
	s15 =	sshll.u32 s15, $0x4;
	s16 =	ssub.s32 s26, s14  }
0x7b: {  	(v2sf) =	vpush v3, $0xD;
	s20 =	sshll.u32 s14, $0x3;
	s14 =	sand.u32 $0x72, s14;
	p0 =	slt.s32 s15, $0x2702  }
0x7c: {  	s26 =	sshra.s32 s21, $0x1F;
	s13 =	sand.u32 $0xFFFFFC00, s20;
	s15 =	simm.s32 @!p0 $0x2702  }
0x7d: {  	s28 =	sshrl.u32 s26, $0x1C;
	p0 =	por !p5, !p6;
	s20 =	simm.s32 $0x1  }
0x7e: {  	s13 =	sor.u32 s14, s13;
	s17 =	ssub.s32 s31, s15;
	s24 =	sand.u32 $0x72, s15  }
0x7f: {  	s15 =	sshll.u32 s15, $0x3;
	s19 =	sadd.s32 s28, s21;
	p0 =	por !p0, !p0  }
0x80: {  	s19 =	sshrl.u32 s19, $0x4;
	s20 =	simm.s32 @!p0 $0x0;
	s15 =	sand.u32 $0xFFFFFC00, s15  }
0x81: {  	s19 =	ssub.s32 s19, s20;
	s14 =	sor.u32 s24, s15;
	s29 =	spop (v2sf)  }
0x82: {  	s19 =	sshll.u32 s19, $0x4;
	s30 =	sand.u32 $0xF, s29;
	s31 =	sshra.s32 s29, $0x1F  }
0x83: {  	p1 =	slt.s32 s29, $0x1;
	p2 =	sne.s32 s30, $0x0;
	s22 =	sshrl.u32 s31, $0x1C  }
0x84: {  	p0 =	por !p1, !p2;
	s20 =	sadd.s32 s22, s29;
	p1 =	slt.s32 s19, $0x2702  }
0x85: {  	s22 =	simm.s32 $0x1;
	p0 =	por !p0, !p0;
	s19 =	simm.s32 @!p1 $0x2702  }
0x86: {  	(v2sf) =	vpush v3, $0xE;
	s20 =	sshrl.u32 s20, $0x4;
	s22 =	simm.s32 @!p0 $0x0;
	s24 =	sshll.u32 s19, $0x3  }
0x87: {  	s25 =	sand.u32 $0x72, s19;
	s23 =	ssub.s32 s20, s22;
	s20 =	ssub.s32 s21, s19  }
0x88: {  	s18 =	sand.u32 $0xFFFFFC00, s24;
	s19 =	spop (v2sf);
	s24 =	simm.s32 $0x1  }
0x89: {  	s22 =	sshll.u32 s23, $0x4;
	s15 =	sor.u32 s25, s18;
	s26 =	sand.u32 $0xF, s19  }
0x8a: {  	s28 =	sshra.s32 s19, $0x1F;
	p3 =	slt.s32 s19, $0x1;
	s25 =	spop (v2sf)  }
0x8b: {  	(v2sf) =	vpush v3, $0xF;
	p0 =	slt.s32 s22, $0x2702;
	p4 =	sne.s32 s26, $0x0;
	s30 =	sand.u32 $0xF, s25  }
0x8c: {  	s31 =	sshra.s32 s25, $0x1F;
	p5 =	slt.s32 s25, $0x1;
	s26 =	simm.s32 $0x1  }
0x8d: {  	s22 =	simm.s32 @!p0 $0x2702;
	p0 =	por !p3, !p4;
	p6 =	sne.s32 s30, $0x0  }
0x8e: {  	s21 =	ssub.s32 s29, s22;
	s18 =	sand.u32 $0x72, s22;
	s22 =	sshll.u32 s22, $0x3  }
0x8f: {  	s29 =	sshrl.u32 s28, $0x1C;
	p0 =	por !p0, !p0;
	s28 =	sshrl.u32 s31, $0x1C  }
0x90: {  	s23 =	sadd.s32 s29, s19;
	s24 =	simm.s32 @!p0 $0x0;
	p0 =	por !p5, !p6  }
0x91: {  	s22 =	sand.u32 $0xFFFFFC00, s22;
	s23 =	sshrl.u32 s23, $0x4;
	p0 =	por !p0, !p0  }
0x92: {  	s18 =	sor.u32 s18, s22;
	s23 =	ssub.s32 s23, s24;
	s24 =	sadd.s32 s28, s25  }
0x93: {  	s26 =	simm.s32 @!p0 $0x0;
	s23 =	sshll.u32 s23, $0x4;
	s24 =	sshrl.u32 s24, $0x4  }
0x94: {  	s28 =	simm.s32 $0x1;
	p1 =	slt.s32 s23, $0x2702;
	s29 =	ssub.s32 s24, s26  }
0x95: {  	s26 =	spop (v2sf);
	s23 =	simm.s32 @!p1 $0x2702;
	s22 =	sshll.u32 s29, $0x4  }
0x96: {  	s30 =	sand.u32 $0xF, s26;
	s31 =	sshra.s32 s26, $0x1F;
	p1 =	slt.s32 s26, $0x1  }
0x97: {  	s24 =	ssub.s32 s19, s23;
	s19 =	sand.u32 $0x72, s23;
	s23 =	sshll.u32 s23, $0x3  }
0x98: {  	p0 =	slt.s32 s22, $0x2702;
	p2 =	sne.s32 s30, $0x0;
	s30 =	sshrl.u32 s31, $0x1C  }
0x99: {  	s23 =	sand.u32 $0xFFFFFC00, s23;
	s22 =	simm.s32 @!p0 $0x2702;
	p0 =	por !p1, !p2  }
0x9a: {  	s19 =	sor.u32 s19, s23;
	p0 =	por !p0, !p0;
	s29 =	spop (v2sf)  }
0x9b: {  	s23 =	sadd.s32 s30, s26;
	s28 =	simm.s32 @!p0 $0x0;
	s31 =	sand.u32 $0xF, s29  }
0x9c: {  	p4 =	slt.s32 s29, $0x1;
	p3 =	sne.s32 s31, $0x0;
	s31 =	sshra.s32 s29, $0x1F  }
0x9d: {  	s23 =	sshrl.u32 s23, $0x4;
	s30 =	sshrl.u32 s31, $0x1C;
	p0 =	por !p4, !p3  }
0x9e: {  	v3 =	vmov s16;
	s31 =	sadd.s32 s30, s29;
	p0 =	por !p0, !p0;
	s30 =	simm.s32 $0x1  }
0x9f: {  	vm4 =	veq.s32 v3, v1;
	v3 =	vmov s17;
	s23 =	ssub.s32 s23, s28;
	s16 =	sshrl.u32 s31, $0x4;
	s30 =	simm.s32 @!p0 $0x0  }
0xa0: {  	v43 =	vsel vm4, $0x3F800000, v2;
	vm5 =	veq.s32 v3, v1;
	v3 =	vmov s20;
	s25 =	ssub.s32 s25, s22;
	s17 =	sshll.u32 s23, $0x4;
	s16 =	ssub.s32 s16, s30  }
0xa1: {  	[tilespmem:s13+$0x80] =	vst v43;
	v44 =	vsel vm5, $0x3F800000, v2;
	vm6 =	veq.s32 v3, v1;
	v3 =	vmov s21;
	s28 =	sand.u32 $0x72, s22;
	p0 =	slt.s32 s17, $0x2702;
	s16 =	sshll.u32 s16, $0x4  }
0xa2: {  	[tilespmem:s14+$0x100] =	vst v44;
	v45 =	vsel vm6, $0x3F800000, v2;
	vm7 =	veq.s32 v3, v1;
	v3 =	vmov s24;
	s22 =	sshll.u32 s22, $0x3;
	s17 =	simm.s32 @!p0 $0x2702;
	p0 =	slt.s32 s16, $0x2702  }
0xa3: {  	[tilespmem:s15+$0x180] =	vst v45;
	v46 =	vsel vm7, $0x3F800000, v2;
	vm8 =	veq.s32 v3, v1;
	v3 =	vmov s25;
	s30 =	sand.u32 $0xFFFFFC00, s22;
	s31 =	ssub.s32 s26, s17;
	s16 =	simm.s32 @!p0 $0x2702  }
0xa4: {  	[tilespmem:s18+$0x200] =	vst v46;
	v47 =	vsel vm8, $0x3F800000, v2;
	vm9 =	veq.s32 v3, v1;
	s20 =	sor.u32 s28, s30;
	s22 =	sshll.u32 s17, $0x3;
	v3 =	vmov s31;
	s23 =	ssub.s32 s29, s16  }
0xa5: {  	[tilespmem:s19+$0x280] =	vst v47;
	v48 =	vsel vm9, $0x3F800000, v2;
	s17 =	sand.u32 $0x72, s17;
	s21 =	sand.u32 $0xFFFFFC00, s22;
	vm10 =	veq.s32 v3, v1;
	s24 =	sshll.u32 s16, $0x3;
	v3 =	vmov s23  }
0xa6: {  	[tilespmem:s20+$0x300] =	vst v48;
	s17 =	sor.u32 s17, s21;
	v49 =	vsel vm10, $0x3F800000, v2;
	s16 =	sand.u32 $0x72, s16;
	s25 =	sand.u32 $0xFFFFFC00, s24;
	vm11 =	veq.s32 v3, v1  }
0xa7: {  	[tilespmem:s17+$0x380] =	vst v49;
	s16 =	sor.u32 s16, s25;
	v3 =	vsel vm11, $0x3F800000, v2  }
0xa8: {  	[tilespmem:s16+$0x400] =	vst v3  }
0xa9: {  	[hbm4b:s5+s2] =	stream.linear.scatter [tilespmem:s11], [sflag:$0x1], $0x13C00, $0x38;
	[tilespmem:$0x13C80] =	vst v63  }
0xaa: {  	_ =	swait.ge [sflag:s10], $0x13C00  }
0xab: {  	[sflag:s10] =	ssyncset.done $0x0  }
0xac: {  	[sflag:s10] =	ssyncadd.s32 $0xFFFEC400  }
0xad: {  	[tilespmem:s13+$0x80] =	vst v0  }
0xae: {  	[tilespmem:s14+$0x100] =	vst v0  }
0xaf: {  	[tilespmem:s15+$0x180] =	vst v0  }
0xb0: {  	[tilespmem:s18+$0x200] =	vst v0  }
0xb1: {  	[tilespmem:s19+$0x280] =	vst v0  }
0xb2: {  	[tilespmem:s20+$0x300] =	vst v0  }
0xb3: {  	[tilespmem:s17+$0x380] =	vst v0  }
0xb4: {  	[tilespmem:s16+$0x400] =	vst v0  }
0xb5: {  	v3 =	vld [tilespmem:$0x10];
	_ =	sdelay $0x4  }
0xb6: {  	(v2sf) =	vpush v3, $0x0;
	_ =	sdelay $0x1  }
0xb7: {  	(v2sf) =	vpush v3, $0x1;
	_ =	sdelay $0x1  }
0xb8: {  	(v2sf) =	vpush v3, $0x2;
	_ =	sdelay $0xa  }
0xb9: {  	s15 =	simm.s32 $0x1;
	s26 =	spop (v2sf)  }
0xba: {  	s28 =	sand.u32 $0xF, s26;
	s29 =	sshra.s32 s26, $0x1F;
	p5 =	slt.s32 s26, $0x1  }
0xbb: {  	s31 =	spop (v2sf);
	p6 =	sne.s32 s28, $0x0;
	s30 =	sshrl.u32 s29, $0x1C  }
0xbc: {  	(v2sf) =	vpush v3, $0x3;
	s16 =	sand.u32 $0xF, s31;
	s18 =	sshra.s32 s31, $0x1F;
	p1 =	slt.s32 s31, $0x1  }
0xbd: {  	s21 =	spop (v2sf);
	p0 =	por !p5, !p6;
	s14 =	sadd.s32 s30, s26  }
0xbe: {  	p2 =	sne.s32 s16, $0x0;
	s19 =	sshrl.u32 s18, $0x1C;
	p0 =	por !p0, !p0  }
0xbf: {  	s16 =	simm.s32 $0x1;
	s14 =	sshrl.u32 s14, $0x4;
	s15 =	simm.s32 @!p0 $0x0  }
0xc0: {  	s25 =	sand.u32 $0xF, s21;
	p0 =	por !p1, !p2;
	s14 =	ssub.s32 s14, s15  }
0xc1: {  	s15 =	sadd.s32 s19, s31;
	p0 =	por !p0, !p0;
	s14 =	sshll.u32 s14, $0x4  }
0xc2: {  	s15 =	sshrl.u32 s15, $0x4;
	s16 =	simm.s32 @!p0 $0x0;
	p1 =	slt.s32 s14, $0x2702  }
0xc3: {  	(v2sf) =	vpush v3, $0x4;
	p3 =	slt.s32 s21, $0x1;
	s15 =	ssub.s32 s15, s16;
	s14 =	simm.s32 @!p1 $0x2702  }
0xc4: {  	p4 =	sne.s32 s25, $0x0;
	s15 =	sshll.u32 s15, $0x4;
	s16 =	ssub.s32 s26, s14  }
0xc5: {  	(v2sf) =	vpush v3, $0x5;
	s20 =	sshll.u32 s14, $0x3;
	s14 =	sand.u32 $0x72, s14;
	p0 =	slt.s32 s15, $0x2702  }
0xc6: {  	s26 =	sshra.s32 s21, $0x1F;
	s13 =	sand.u32 $0xFFFFFC00, s20;
	s15 =	simm.s32 @!p0 $0x2702  }
0xc7: {  	s28 =	sshrl.u32 s26, $0x1C;
	p0 =	por !p3, !p4;
	s20 =	simm.s32 $0x1  }
0xc8: {  	s13 =	sor.u32 s14, s13;
	s17 =	ssub.s32 s31, s15;
	s24 =	sand.u32 $0x72, s15  }
0xc9: {  	s15 =	sshll.u32 s15, $0x3;
	s19 =	sadd.s32 s28, s21;
	p0 =	por !p0, !p0  }
0xca: {  	s19 =	sshrl.u32 s19, $0x4;
	s20 =	simm.s32 @!p0 $0x0;
	s15 =	sand.u32 $0xFFFFFC00, s15  }
0xcb: {  	s19 =	ssub.s32 s19, s20;
	s14 =	sor.u32 s24, s15;
	s29 =	spop (v2sf)  }
0xcc: {  	s19 =	sshll.u32 s19, $0x4;
	s30 =	sand.u32 $0xF, s29;
	s31 =	sshra.s32 s29, $0x1F  }
0xcd: {  	p5 =	slt.s32 s29, $0x1;
	p1 =	slt.s32 s19, $0x2702;
	p6 =	sne.s32 s30, $0x0  }
0xce: {  	s22 =	sshrl.u32 s31, $0x1C;
	s19 =	simm.s32 @!p1 $0x2702;
	p0 =	por !p5, !p6  }
0xcf: {  	s20 =	sadd.s32 s22, s29;
	s22 =	simm.s32 $0x1;
	s24 =	sshll.u32 s19, $0x3  }
0xd0: {  	(v2sf) =	vpush v3, $0x6;
	s25 =	sand.u32 $0x72, s19;
	p0 =	por !p0, !p0;
	s20 =	sshrl.u32 s20, $0x4  }
0xd1: {  	s18 =	sand.u32 $0xFFFFFC00, s24;
	s24 =	simm.s32 $0x1;
	s22 =	simm.s32 @!p0 $0x0  }
0xd2: {  	s23 =	ssub.s32 s20, s22;
	s20 =	ssub.s32 s21, s19;
	s19 =	spop (v2sf)  }
0xd3: {  	s15 =	sor.u32 s25, s18;
	s22 =	sshll.u32 s23, $0x4;
	s26 =	sand.u32 $0xF, s19  }
0xd4: {  	s28 =	sshra.s32 s19, $0x1F;
	p1 =	slt.s32 s19, $0x1;
	s25 =	spop (v2sf)  }
0xd5: {  	(v2sf) =	vpush v3, $0x7;
	p0 =	slt.s32 s22, $0x2702;
	p2 =	sne.s32 s26, $0x0;
	s30 =	sand.u32 $0xF, s25  }
0xd6: {  	s31 =	sshra.s32 s25, $0x1F;
	p3 =	slt.s32 s25, $0x1;
	s26 =	simm.s32 $0x1  }
0xd7: {  	s22 =	simm.s32 @!p0 $0x2702;
	p0 =	por !p1, !p2;
	p4 =	sne.s32 s30, $0x0  }
0xd8: {  	s21 =	ssub.s32 s29, s22;
	s18 =	sand.u32 $0x72, s22;
	s22 =	sshll.u32 s22, $0x3  }
0xd9: {  	s29 =	sshrl.u32 s28, $0x1C;
	p0 =	por !p0, !p0;
	s28 =	sshrl.u32 s31, $0x1C  }
0xda: {  	s23 =	sadd.s32 s29, s19;
	s24 =	simm.s32 @!p0 $0x0;
	p0 =	por !p3, !p4  }
0xdb: {  	s22 =	sand.u32 $0xFFFFFC00, s22;
	s23 =	sshrl.u32 s23, $0x4;
	p0 =	por !p0, !p0  }
0xdc: {  	s18 =	sor.u32 s18, s22;
	s23 =	ssub.s32 s23, s24;
	s24 =	sadd.s32 s28, s25  }
0xdd: {  	s26 =	simm.s32 @!p0 $0x0;
	s23 =	sshll.u32 s23, $0x4;
	s24 =	sshrl.u32 s24, $0x4  }
0xde: {  	s28 =	simm.s32 $0x1;
	p1 =	slt.s32 s23, $0x2702;
	s29 =	ssub.s32 s24, s26  }
0xdf: {  	s26 =	spop (v2sf);
	s23 =	simm.s32 @!p1 $0x2702;
	s22 =	sshll.u32 s29, $0x4  }
0xe0: {  	s30 =	sand.u32 $0xF, s26;
	s31 =	sshra.s32 s26, $0x1F;
	p5 =	slt.s32 s26, $0x1  }
0xe1: {  	s24 =	ssub.s32 s19, s23;
	s19 =	sand.u32 $0x72, s23;
	s23 =	sshll.u32 s23, $0x3  }
0xe2: {  	p0 =	slt.s32 s22, $0x2702;
	p6 =	sne.s32 s30, $0x0;
	s30 =	sshrl.u32 s31, $0x1C  }
0xe3: {  	s23 =	sand.u32 $0xFFFFFC00, s23;
	s22 =	simm.s32 @!p0 $0x2702;
	p0 =	por !p5, !p6  }
0xe4: {  	s19 =	sor.u32 s19, s23;
	p0 =	por !p0, !p0;
	s29 =	spop (v2sf)  }
0xe5: {  	s23 =	sadd.s32 s30, s26;
	s28 =	simm.s32 @!p0 $0x0;
	s31 =	sand.u32 $0xF, s29  }
0xe6: {  	p2 =	slt.s32 s29, $0x1;
	p1 =	sne.s32 s31, $0x0;
	s31 =	sshra.s32 s29, $0x1F  }
0xe7: {  	s23 =	sshrl.u32 s23, $0x4;
	s30 =	sshrl.u32 s31, $0x1C;
	p0 =	por !p2, !p1  }
0xe8: {  	v3 =	vmov s16;
	s31 =	sadd.s32 s30, s29;
	p0 =	por !p0, !p0;
	s30 =	simm.s32 $0x1  }
0xe9: {  	v50 =	vmov s17;
	vm12 =	veq.s32 v3, v1;
	s28 =	ssub.s32 s23, s28;
	s16 =	sshrl.u32 s31, $0x4;
	s30 =	simm.s32 @!p0 $0x0  }
0xea: {  	vm13 =	veq.s32 v50, v1;
	v51 =	vmov s20;
	v3 =	vsel vm12, $0x3F800000, v2;
	s23 =	sand.u32 $0x72, s22;
	s17 =	sshll.u32 s28, $0x4;
	s16 =	ssub.s32 s16, s30  }
0xeb: {  	vm14 =	veq.s32 v51, v1;
	[tilespmem:s13+$0x80] =	vst v3;
	v3 =	vsel vm13, $0x3F800000, v2;
	v52 =	vmov s21;
	s31 =	ssub.s32 s25, s22;
	p0 =	slt.s32 s17, $0x2702;
	s16 =	sshll.u32 s16, $0x4  }
0xec: {  	[tilespmem:s14+$0x100] =	vst v3;
	v3 =	vsel vm14, $0x3F800000, v2;
	vm15 =	veq.s32 v52, v1;
	v53 =	vmov s24;
	s22 =	sshll.u32 s22, $0x3;
	s17 =	simm.s32 @!p0 $0x2702;
	p0 =	slt.s32 s16, $0x2702  }
0xed: {  	[tilespmem:s15+$0x180] =	vst v3;
	v3 =	vsel vm15, $0x3F800000, v2;
	vm4 =	veq.s32 v53, v1;
	v54 =	vmov s31;
	s24 =	sand.u32 $0xFFFFFC00, s22;
	s25 =	ssub.s32 s26, s17;
	s16 =	simm.s32 @!p0 $0x2702  }
0xee: {  	[tilespmem:s18+$0x200] =	vst v3;
	v3 =	vsel vm4, $0x3F800000, v2;
	vm5 =	veq.s32 v54, v1;
	s20 =	sor.u32 s23, s24;
	s26 =	sshll.u32 s17, $0x3;
	v55 =	vmov s25;
	s28 =	ssub.s32 s29, s16  }
0xef: {  	[tilespmem:s19+$0x280] =	vst v3;
	s17 =	sand.u32 $0x72, s17;
	v3 =	vsel vm5, $0x3F800000, v2;
	s21 =	sand.u32 $0xFFFFFC00, s26;
	vm6 =	veq.s32 v55, v1;
	s29 =	sshll.u32 s16, $0x3;
	v56 =	vmov s28  }
0xf0: {  	[tilespmem:s20+$0x300] =	vst v3;
	s17 =	sor.u32 s17, s21;
	v3 =	vsel vm6, $0x3F800000, v2;
	s16 =	sand.u32 $0x72, s16;
	s30 =	sand.u32 $0xFFFFFC00, s29;
	vm7 =	veq.s32 v56, v1  }
0xf1: {  	[tilespmem:s17+$0x380] =	vst v3;
	s16 =	sor.u32 s16, s30;
	v3 =	vsel vm7, $0x3F800000, v2  }
0xf2: {  	[tilespmem:s16+$0x400] =	vst v3  }
0xf3: {  	[hbm4b:s6+s2] =	stream.linear.scatter [tilespmem:s11], [sflag:$0x1], $0x13C00, $0x38;
	[tilespmem:$0x13C80] =	vst v63  }
0xf4: {  	_ =	swait.ge [sflag:s10], $0x13C00  }
0xf5: {  	[sflag:s10] =	ssyncset.done $0x0  }
0xf6: {  	[sflag:s10] =	ssyncadd.s32 $0xFFFEC400  }
0xf7: {  	[tilespmem:s13+$0x80] =	vst v0  }
0xf8: {  	[tilespmem:s14+$0x100] =	vst v0  }
0xf9: {  	[tilespmem:s15+$0x180] =	vst v0  }
0xfa: {  	[tilespmem:s18+$0x200] =	vst v0  }
0xfb: {  	[tilespmem:s19+$0x280] =	vst v0  }
0xfc: {  	[tilespmem:s20+$0x300] =	vst v0  }
0xfd: {  	[tilespmem:s17+$0x380] =	vst v0  }
0xfe: {  	[tilespmem:s16+$0x400] =	vst v0  }
0xff: {  	v3 =	vld [tilespmem:$0x10];
	_ =	sdelay $0x4  }
0x100: {  	(v2sf) =	vpush v3, $0x8;
	_ =	sdelay $0x3  }
0x101: {  	(v2sf) =	vpush v3, $0x9  }
0x102: {  	(v2sf) =	vpush v3, $0xA;
	_ =	sdelay $0x1  }
0x103: {  	(v2sf) =	vpush v3, $0xB;
	_ =	sdelay $0x2  }
0x104: {  	(v2sf) =	vpush v3, $0xC;
	_ =	sdelay $0x4  }
0x105: {  	s31 =	spop (v2sf);
	(v2sf) =	vpush v3, $0xD;
	_ =	sdelay $0x1  }
0x106: {  	s15 =	simm.s32 $0x1  }
0x107: {  	s21 =	sand.u32 $0xF, s31;
	s22 =	sshra.s32 s31, $0x1F;
	p3 =	slt.s32 s31, $0x1  }
0x108: {  	s16 =	spop (v2sf);
	p4 =	sne.s32 s21, $0x0;
	s23 =	sshrl.u32 s22, $0x1C  }
0x109: {  	s20 =	spop (v2sf);
	s24 =	sand.u32 $0xF, s16;
	s25 =	sshra.s32 s16, $0x1F  }
0x10a: {  	p5 =	slt.s32 s16, $0x1;
	s21 =	simm.s32 $0x1;
	p0 =	por !p3, !p4  }
0x10b: {  	s14 =	sadd.s32 s23, s31;
	s18 =	spop (v2sf);
	p6 =	sne.s32 s24, $0x0  }
0x10c: {  	s26 =	sshrl.u32 s25, $0x1C;
	s30 =	sand.u32 $0xF, s20;
	p0 =	por !p0, !p0  }
0x10d: {  	p1 =	slt.s32 s20, $0x1;
	s14 =	sshrl.u32 s14, $0x4;
	s15 =	simm.s32 @!p0 $0x0  }
0x10e: {  	s23 =	simm.s32 $0x1;
	s19 =	spop (v2sf);
	s14 =	ssub.s32 s14, s15  }
0x10f: {  	p2 =	sne.s32 s30, $0x0;
	p3 =	slt.s32 s18, $0x1;
	s14 =	sshll.u32 s14, $0x4  }
0x110: {  	s30 =	sshra.s32 s19, $0x1F;
	s15 =	sadd.s32 s26, s16;
	p0 =	slt.s32 s14, $0x2702  }
0x111: {  	s28 =	sshrl.u32 s15, $0x4;
	s14 =	simm.s32 @!p0 $0x2702;
	p0 =	por !p5, !p6  }
0x112: {  	p5 =	slt.s32 s19, $0x1;
	p0 =	por !p0, !p0;
	s17 =	ssub.s32 s31, s14  }
0x113: {  	s29 =	sand.u32 $0x72, s14;
	s31 =	sshra.s32 s20, $0x1F;
	s15 =	spop (v2sf);
	(v2sf) =	vpush v3, $0xE  }
0x114: {  	s14 =	sshll.u32 s14, $0x3;
	s21 =	simm.s32 @!p0 $0x0;
	p0 =	por !p1, !p2  }
0x115: {  	s14 =	sand.u32 $0xFFFFFC00, s14;
	s13 =	ssub.s32 s28, s21;
	s21 =	sshrl.u32 s31, $0x1C  }
0x116: {  	p0 =	por !p0, !p0;
	s28 =	sshra.s32 s18, $0x1F;
	s21 =	sadd.s32 s21, s20  }
0x117: {  	s24 =	sshll.u32 s13, $0x4;
	s23 =	simm.s32 @!p0 $0x0;
	s21 =	sshrl.u32 s21, $0x4  }
0x118: {  	s31 =	sand.u32 $0xF, s19;
	p0 =	slt.s32 s24, $0x2702;
	s13 =	ssub.s32 s21, s23  }
0x119: {  	p6 =	sne.s32 s31, $0x0;
	s24 =	simm.s32 @!p0 $0x2702;
	s23 =	sshll.u32 s13, $0x4  }
0x11a: {  	s13 =	sor.u32 s29, s14;
	s25 =	sshll.u32 s24, $0x3;
	s26 =	sand.u32 $0x72, s24  }
0x11b: {  	s22 =	ssub.s32 s16, s24;
	s29 =	sand.u32 $0xF, s18;
	s24 =	simm.s32 $0x1  }
0x11c: {  	s31 =	sshra.s32 s15, $0x1F;
	p1 =	slt.s32 s15, $0x1;
	p0 =	slt.s32 s23, $0x2702  }
0x11d: {  	s14 =	sand.u32 $0xFFFFFC00, s25;
	p4 =	sne.s32 s29, $0x0;
	s25 =	sshrl.u32 s30, $0x1C  }
0x11e: {  	s30 =	sand.u32 $0xF, s15;
	s23 =	simm.s32 @!p0 $0x2702;
	s14 =	sor.u32 s26, s14  }
0x11f: {  	p0 =	por !p3, !p4;
	s21 =	ssub.s32 s20, s23;
	s20 =	sshrl.u32 s28, $0x1C  }
0x120: {  	s25 =	sadd.s32 s25, s19;
	p0 =	por !p0, !p0;
	s20 =	sadd.s32 s20, s18  }
0x121: {  	s26 =	simm.s32 $0x1;
	s24 =	simm.s32 @!p0 $0x0;
	s20 =	sshrl.u32 s20, $0x4  }
0x122: {  	p0 =	por !p5, !p6;
	s24 =	ssub.s32 s20, s24;
	s20 =	spop (v2sf);
	(v2sf) =	vpush v3, $0xF  }
0x123: {  	p2 =	sne.s32 s30, $0x0;
	s16 =	sand.u32 $0x72, s23;
	p0 =	por !p0, !p0  }
0x124: {  	s23 =	sshll.u32 s23, $0x3;
	s25 =	sshrl.u32 s25, $0x4;
	s26 =	simm.s32 @!p0 $0x0  }
0x125: {  	s23 =	sand.u32 $0xFFFFFC00, s23;
	s24 =	sshll.u32 s24, $0x4;
	s25 =	ssub.s32 s25, s26  }
0x126: {  	s16 =	sor.u32 s16, s23;
	p0 =	slt.s32 s24, $0x2702;
	s25 =	sshll.u32 s25, $0x4  }
0x127: {  	s26 =	simm.s32 $0x1;
	s24 =	simm.s32 @!p0 $0x2702;
	p0 =	slt.s32 s25, $0x2702  }
0x128: {  	s23 =	ssub.s32 s18, s24;
	s28 =	sshll.u32 s24, $0x3;
	s24 =	sand.u32 $0x72, s24  }
0x129: {  	s25 =	simm.s32 @!p0 $0x2702;
	p0 =	por !p1, !p2;
	s18 =	sand.u32 $0xFFFFFC00, s28  }
0x12a: {  	s29 =	sshll.u32 s25, $0x3;
	s18 =	sor.u32 s24, s18;
	s24 =	ssub.s32 s19, s25  }
0x12b: {  	s25 =	sand.u32 $0x72, s25;
	s19 =	sand.u32 $0xFFFFFC00, s29;
	s29 =	sshrl.u32 s31, $0x1C  }
0x12c: {  	p0 =	por !p0, !p0;
	s19 =	sor.u32 s25, s19;
	s25 =	sadd.s32 s29, s15  }
0x12d: {  	s28 =	simm.s32 $0x1;
	s26 =	simm.s32 @!p0 $0x0;
	s25 =	sshrl.u32 s25, $0x4  }
0x12e: {  	s30 =	sand.u32 $0xF, s20;
	s31 =	sshra.s32 s20, $0x1F;
	p3 =	slt.s32 s20, $0x1  }
0x12f: {  	s25 =	ssub.s32 s25, s26;
	p4 =	sne.s32 s30, $0x0;
	s29 =	sshrl.u32 s31, $0x1C  }
0x130: {  	s25 =	sshll.u32 s25, $0x4;
	p0 =	por !p3, !p4;
	s26 =	sadd.s32 s29, s20  }
0x131: {  	p1 =	slt.s32 s25, $0x2702;
	p0 =	por !p0, !p0;
	s29 =	spop (v2sf)  }
0x132: {  	s26 =	sshrl.u32 s26, $0x4;
	s28 =	simm.s32 @!p0 $0x0;
	s30 =	sand.u32 $0xF, s29  }
0x133: {  	s31 =	sshra.s32 s29, $0x1F;
	p6 =	slt.s32 s29, $0x1;
	p5 =	sne.s32 s30, $0x0  }
0x134: {  	s26 =	ssub.s32 s26, s28;
	s28 =	sshrl.u32 s31, $0x1C;
	p0 =	por !p6, !p5  }
0x135: {  	v3 =	vmov s17;
	s30 =	sadd.s32 s28, s29;
	s28 =	simm.s32 $0x1;
	p0 =	por !p0, !p0  }
0x136: {  	v57 =	vmov s22;
	vm8 =	veq.s32 v3, v1;
	s25 =	simm.s32 @!p1 $0x2702;
	s17 =	sshrl.u32 s30, $0x4;
	s28 =	simm.s32 @!p0 $0x0  }
0x137: {  	vm9 =	veq.s32 v57, v1;
	v3 =	vmov s21;
	v5 =	vsel vm8, $0x3F800000, v2;
	s15 =	ssub.s32 s15, s25;
	s21 =	sshll.u32 s26, $0x4;
	s17 =	ssub.s32 s17, s28  }
0x138: {  	v4 =	vsel vm9, $0x3F800000, v2;
	vm10 =	veq.s32 v3, v1;
	v3 =	vmov s23;
	[tilespmem:s13+$0x80] =	vst v5;
	s31 =	sand.u32 $0x72, s25;
	p0 =	slt.s32 s21, $0x2702;
	s17 =	sshll.u32 s17, $0x4  }
0x139: {  	v58 =	vmov s24;
	v59 =	vsel vm10, $0x3F800000, v2;
	vm11 =	veq.s32 v3, v1;
	[tilespmem:s14+$0x100] =	vst v4;
	s25 =	sshll.u32 s25, $0x3;
	s21 =	simm.s32 @!p0 $0x2702;
	p0 =	slt.s32 s17, $0x2702  }
0x13a: {  	vm12 =	veq.s32 v58, v1;
	v60 =	vsel vm11, $0x3F800000, v2;
	[tilespmem:s16+$0x180] =	vst v59;
	v3 =	vmov s15;
	s26 =	sand.u32 $0xFFFFFC00, s25;
	s20 =	ssub.s32 s20, s21;
	s17 =	simm.s32 @!p0 $0x2702  }
0x13b: {  	v61 =	vsel vm12, $0x3F800000, v2;
	[tilespmem:s18+$0x200] =	vst v60;
	vm13 =	veq.s32 v3, v1;
	s15 =	sor.u32 s31, s26;
	s28 =	sshll.u32 s21, $0x3;
	v3 =	vmov s20;
	s29 =	ssub.s32 s29, s17  }
0x13c: {  	[tilespmem:s19+$0x280] =	vst v61;
	v62 =	vsel vm13, $0x3F800000, v2;
	s21 =	sand.u32 $0x72, s21;
	s20 =	sand.u32 $0xFFFFFC00, s28;
	vm14 =	veq.s32 v3, v1;
	s30 =	sshll.u32 s17, $0x3;
	v3 =	vmov s29  }
0x13d: {  	[tilespmem:s15+$0x300] =	vst v62;
	s20 =	sor.u32 s21, s20;
	v63 =	vsel vm14, $0x3F800000, v2;
	s17 =	sand.u32 $0x72, s17;
	s31 =	sand.u32 $0xFFFFFC00, s30;
	vm15 =	veq.s32 v3, v1  }
0x13e: {  	[tilespmem:s20+$0x380] =	vst v63;
	s17 =	sor.u32 s17, s31;
	v3 =	vsel vm15, $0x3F800000, v2  }
0x13f: {  	[tilespmem:s17+$0x400] =	vst v3  }
0x140: {  	[hbm4b:s7+s2] =	stream.linear.scatter [tilespmem:s11], [sflag:$0x1], $0x13C00, $0x38;
	[tilespmem:$0x13C80] =	vst v63  }
0x141: {  	_ =	swait.ge [sflag:s10], $0x13C00  }
0x142: {  	[sflag:s10] =	ssyncset.done $0x0  }
0x143: {  	[sflag:s10] =	ssyncadd.s32 $0xFFFEC400  }
0x144: {  	[tilespmem:s13+$0x80] =	vst v0  }
0x145: {  	s12 =	sadd.s32 $0x1, s12;
	[tilespmem:s14+$0x100] =	vst v0  }
0x146: {  	p0 =	sne.s32 s12, s8;
	[tilespmem:s16+$0x180] =	vst v0  }
.Ltmp1:
0x147: {  	[tilespmem:s18+$0x200] =	vst v0;
	(pc) =	sbr.rel @p0 .LBB2_1-.Ltmp1, $4  }
0x148: {  	[tilespmem:s19+$0x280] =	vst v0  }
0x149: {  	[tilespmem:s15+$0x300] =	vst v0  }
0x14a: {  	[tilespmem:s20+$0x380] =	vst v0  }
0x14b: {  	[tilespmem:s17+$0x400] =	vst v0  }
0x14c: {  	_ =	sfence.sel $0x180000  }
0x14d: {  	[bflag:$0x0] =	sbarrier.arrive $0xFFFF  }
0x14e: {  	p0 =	sne.s32 s0, $0x0;
	_ =	strace $0x90000047  }
0x14f: {  	s0 =	sadd.s32 @!p0 $0x100000, s1;
	[bflag:$0x2] =	sbarrier.arrive $0xFFFF  }
0x150: {  	[sflag:s0] =	ssyncadd.tile.s32 @!p0 $0x1;
	_ =	shalt  }
.Lfunc_end2:
_tile_overlayer_lowered:
.L_overlay_start_2:
0x151: {  	(tag) =	ssettag $0x2  }
0x152: {  	s0 =	rddreg [dreg:$0x0];
	s2 =	stileid.u32  }
0x153: {  	s1 =	rddreg [dreg:$0x1];
	p0 =	sne.s32 s2, $0x0  }
0x154: {  	s3 =	rddreg [dreg:$0x2];
	[bflag:$0x3] =	sbarrier.arrive $0xFFFF;
	s2 =	simm.s32 @!p0 $0x1C02  }
0x155: {  	[timem:s3], [sflag:s2] =	dma.local @!p0 [hbm:s0], s1  }
0x156: {  	s0 =	simm.s32 @!p0 $0x2  }
0x157: {  	_ =	swait.ge @!p0 [sflag:s0], s1  }
0x158: {  	s1 =	ssub.s32 @!p0 $0x0, s1;
	[sflag:s0] =	ssyncset.done @!p0 $0x0  }
0x159: {  	[sflag:s0] =	ssyncadd.s32 @!p0 s1  }
0x15a: {  	[bflag:$0x3] =	sbarrier.arrive $0xFFFF  }
0x15b: {  	_ =	shalt  }

</sc_bundles>
